<compile_context>
chip_gen: v7x
topology: tpu7x:2x2x1
jax: 0.10.2.dev20260603
libtpu: 0.0.44.dev20260713+nightly
codegen_flags: <defaults>
</compile_context>

<pallas_src>
import functools

import jax
import jax.numpy as jnp
from jax import lax
from jax.experimental import pallas as pl
from jax.experimental.pallas import tpu as pltpu
from jax.experimental.pallas import tpu_sc as plsc

_B = 16
_L = 16
_NC = 2
_NS = 16
_ITERS = 24
_NEG = -1e30
_U = 8
_CH = 2048


def _make_sc_kernel(n):
    nw = _NC * _NS
    chunk = n // nw
    blk = n // _NS
    n_ch = n // _CH
    mesh = plsc.VectorSubcoreMesh(core_axis_name="c", subcore_axis_name="s")

    @functools.partial(
        pl.kernel,
        mesh=mesh,
        compiler_params=pltpu.CompilerParams(needs_layout_passes=False),
        out_type=(
            jax.ShapeDtypeStruct((n,), jnp.float32),
            jax.ShapeDtypeStruct((_NS, _L), jnp.int32),
            jax.ShapeDtypeStruct((_B, _L), jnp.float32),
        ),
        scratch_types=[
            pltpu.VMEM((blk,), jnp.int32),
            pltpu.VMEM((n + _U * _L,), jnp.float32),
            pltpu.VMEM((n + _L,), jnp.float32),
            pltpu.VMEM((chunk,), jnp.float32),
            pltpu.VMEM((chunk,), jnp.float32),
            pltpu.VMEM((_L,), jnp.int32),
            pltpu.VMEM((_NS, _L), jnp.int32),
            pltpu.VMEM((_L,), jnp.float32),
            pltpu.VMEM((_B, _L), jnp.float32),
            pltpu.SemaphoreType.DMA,
            pltpu.SemaphoreType.DMA,
        ],
    )
    def k(x_hbm, b_hbm, out_hbm, lb_hbm, stats_hbm,
          bloc, xseg, cbuf, xloc, outv, lbv, lbtab, statv, alltab, sem,
          sem2):
        cid = lax.axis_index("c")
        sid = lax.axis_index("s")
        seg = sid
        lane_iota = lax.iota(jnp.int32, _L)

        wid = sid * _NC + cid
        base = wid * chunk
        cpx = pltpu.async_copy(x_hbm.at[pl.ds(base, chunk)], xloc, sem)

        pltpu.sync_copy(b_hbm.at[pl.ds(seg * blk, blk)], bloc)

        def lb_body(_, lohi):
            lo, hi = lohi
            valid = lo < hi
            mid = jnp.minimum((lo + hi) // 2, blk - 1)
            v = plsc.load_gather(bloc, [mid])
            less = v < lane_iota
            p = jnp.logical_and(valid, less)
            q = jnp.logical_and(valid, jnp.logical_not(less))
            return (jnp.where(p, mid + 1, lo), jnp.where(q, mid, hi))
        lb_loc, _ = lax.fori_loop(
            0, 12, lb_body,
            (jnp.zeros((_L,), jnp.int32), jnp.full((_L,), blk, jnp.int32)))

        lbv[...] = lb_loc
        pltpu.sync_copy(lbv, lb_hbm.at[seg])
        plsc.subcore_barrier()
        pltpu.sync_copy(lb_hbm, lbtab)

        starts = lbtab[0]
        for r in range(1, _NS):
            starts = starts + lbtab[r]
        starts_f = starts.astype(jnp.float32)
        start_f = plsc.cummax(
            jnp.where(lane_iota == seg, starts_f, 0.0))[_L - 1]
        end_f = plsc.cummax(
            jnp.where(lane_iota == seg + 1, starts_f, 0.0))[_L - 1]
        start = start_f.astype(jnp.int32)
        end = jnp.where(seg == _B - 1, jnp.int32(n), end_f.astype(jnp.int32))

        a0 = (start // _CH) * _CH
        nch = (end - a0 + _CH - 1) // _CH
        a0 = jnp.minimum(a0, n - nch * _CH)

        def dma_fire(i, c):
            pltpu.async_copy(x_hbm.at[pl.ds(a0 + i * _CH, _CH)],
                             xseg.at[pl.ds(i * _CH, _CH)], sem2)
            return c
        lax.fori_loop(0, nch, dma_fire, jnp.int32(0))
        def dma_drain(i, c):
            pltpu.make_async_copy(x_hbm.at[pl.ds(a0 + i * _CH, _CH)],
                                  xseg.at[pl.ds(i * _CH, _CH)], sem2).wait()
            return c
        lax.fori_loop(0, nch, dma_drain, jnp.int32(0))

        s0 = start - a0
        e0 = end - a0
        w0 = s0 // _L
        w1 = (e0 + _L - 1) // _L
        g0 = w0 // _U
        g1 = (w1 + _U - 1) // _U

        def max_body(g, m):
            for j in range(_U):
                off = (g * _U + j) * _L
                pos = off + lane_iota
                xx = xseg[pl.ds(off, _L)]
                ok = jnp.logical_and(pos >= s0, pos < e0)
                m = jnp.where(ok, jnp.maximum(m, xx), m)
            return m
        m = lax.fori_loop(g0, g1, max_body,
                          jnp.full((_L,), _NEG, jnp.float32))
        mx = plsc.cummax(m)[_L - 1]

        thr = mx - 1.0
        def c_body(g, off):
            for j in range(_U):
                o = (g * _U + j) * _L
                pos = o + lane_iota
                xx = xseg[pl.ds(o, _L)]
                ok = jnp.logical_and(pos >= s0, pos < e0)
                msk = jnp.logical_and(ok, xx > thr)
                plsc.store_compressed(cbuf.at[pl.ds(off, _L)], xx - mx,
                                      mask=msk)
                off = off + plsc.all_reduce_population_count(msk)[0]
            return off
        k_cnt = lax.fori_loop(g0, g1, c_body, jnp.int32(0))
        cbuf[pl.ds(k_cnt, _L)] = jnp.full((_L,), _NEG, jnp.float32)
        nb = (k_cnt + _L - 1) // _L

        init = (jnp.float32(-1.0), jnp.float32(0.0))

        def fast_path(_):
            yy = cbuf[pl.ds(0, _L)]
            sk, _ = plsc.sort_key_val(yy, yy, descending=True)
            cs = plsc.cumsum(sk) - 1.0
            rhos = (lane_iota + 1).astype(jnp.float32)
            support = (rhos * sk) > cs
            ksup = plsc.all_reduce_population_count(support)[0]
            kk = jnp.maximum(ksup, 1)
            tau_num = plsc.cummax(
                jnp.where(lane_iota == kk - 1, cs, jnp.float32(_NEG)))[_L - 1]
            recip = jnp.float32(1.0)
            for l in range(_L):
                recip = jnp.where(lane_iota == l, jnp.float32(1.0 / (l + 1)),
                                  recip)
            rk = plsc.cummax(
                jnp.where(lane_iota == kk - 1, recip,
                          jnp.float32(_NEG)))[_L - 1]
            return tau_num * rk

        def slow_path(_):
            def it_body(_, lohi):
                lo, hi = lohi
                mid = 0.5 * (lo + hi)
                def s_body(r, acc):
                    yy = cbuf[pl.ds(r * _L, _L)]
                    return acc + jnp.maximum(yy - mid, 0.0)
                acc = lax.fori_loop(0, nb, s_body,
                                    jnp.zeros((_L,), jnp.float32))
                f = plsc.cumsum(acc)[_L - 1]
                p = f >= 1.0
                return (jnp.where(p, mid, lo), jnp.where(p, hi, mid))
            lo, hi = lax.fori_loop(0, _ITERS, it_body, init)
            return 0.5 * (lo + hi)

        tau = lax.cond(nb <= 1, fast_path, slow_path, 0)

        stat = jnp.where(lane_iota == 0, mx + tau, 0.0)
        statv[...] = stat
        pltpu.sync_copy(statv, stats_hbm.at[seg])
        plsc.subcore_barrier()
        pltpu.sync_copy(stats_hbm, alltab)

        cpx.wait()
        boff = cid * chunk
        zz = jnp.zeros((_L,), jnp.int32)
        def out_body(u, c):
            for j in range(_U):
                off = (u * _U + j) * _L
                xx = xloc[pl.ds(off, _L)]
                bb = bloc[pl.ds(boff + off, _L)]
                mm = plsc.load_gather(alltab, [bb, zz])
                outv[pl.ds(off, _L)] = jnp.maximum(xx - mm, 0.0)
            return c
        lax.fori_loop(0, chunk // (_U * _L), out_body, jnp.int32(0))
        pltpu.sync_copy(outv, out_hbm.at[pl.ds(base, chunk)])

    return k


def kernel(x, batch):
    n = x.shape[0]
    out, _, _ = _make_sc_kernel(n)(x, batch)
    return out

# --- scband reference (transcript-rebuilt; emitter-appended) ---
"""Pipeline reference for scband-sparsemax-21079699489371 (READ-ONLY COPY).

The authoritative reference and input builder live on the scoring server;
editing this copy changes nothing except your own understanding.
"""

import jax, jax.numpy as jnp
import numpy as np

NUM_SEGMENTS = 16


def setup_inputs(seed: int = 0) -> dict:
    key = jax.random.key(seed)
    k1, k2 = jax.random.split(key)
    N = 32768
    x = jax.random.normal(k1, (N,), dtype=jnp.float32)
    batch = jnp.sort(jax.random.randint(k2, (N,), 0, NUM_SEGMENTS, dtype=jnp.int32))
    return {"x": x, "batch": batch}


def reference(x, batch):
    B = NUM_SEGMENTS
    N = x.shape[0]
    # subtract per-segment max (scatter_max)
    max_val = jax.ops.segment_max(x, batch, num_segments=B)
    y = x - max_val[batch]
    # segment sizes and cumulative offsets
    ones = jnp.ones((N,), dtype=jnp.int32)
    num_nodes = jax.ops.segment_sum(ones, batch, num_segments=B)
    cum_num_nodes = jnp.concatenate([jnp.zeros((1,), num_nodes.dtype), jnp.cumsum(num_nodes)[:-1]])
    max_n = N
    # scatter ragged values into a dense [B, max_n] buffer (fill = -1e16)
    index = jnp.arange(N, dtype=jnp.int32) - cum_num_nodes[batch] + batch * max_n
    fill = jnp.float32(-1e16)
    dense = jnp.full((B * max_n,), fill, dtype=y.dtype).at[index].set(y)
    dense = dense.reshape(B, max_n)
    # descending sort per segment + cumsum
    sorted_x = jnp.sort(dense, axis=-1)[:, ::-1]
    csum = jnp.cumsum(sorted_x, axis=-1) - 1.0
    # support: rho_k * z_(k) > cumsum_k - 1
    rhos = jnp.arange(1, max_n + 1, dtype=y.dtype)
    support = (rhos[None, :] * sorted_x) > csum
    support_size = jnp.sum(support.astype(jnp.int32), axis=-1)
    idx = jnp.clip(support_size - 1, 0, max_n - 1)
    tau = jnp.take_along_axis(csum, idx[:, None], axis=-1)[:, 0]
    tau = tau / jnp.maximum(support_size, 1).astype(y.dtype)
    out = jnp.clip(y - tau[batch], 0.0, None)
    return out

if __name__ == "__main__":
    import jax
    _d = setup_inputs()
    print(jax.jit(kernel)(*tuple(_d.values())))

</pallas_src>

<mosaic_0001>
#map = affine_map<(d0, d1) -> (0)>
#map1 = affine_map<(d0, d1) -> (0, 0)>
module attributes {stable_mosaic.version = 14 : i64} {
  func.func @k(%arg0: i32, %arg1: i32, %arg2: memref<32768xf32, #tpu.memory_space<hbm>>, %arg3: memref<32768xi32, #tpu.memory_space<hbm>>, %arg4: memref<32768xf32, #tpu.memory_space<hbm>>, %arg5: memref<16x16xi32, #tpu.memory_space<hbm>>, %arg6: memref<16x16xf32, #tpu.memory_space<hbm>>, %arg7: memref<2048xi32, #tpu.memory_space<vmem>>, %arg8: memref<32896xf32, #tpu.memory_space<vmem>>, %arg9: memref<32784xf32, #tpu.memory_space<vmem>>, %arg10: memref<1024xf32, #tpu.memory_space<vmem>>, %arg11: memref<1024xf32, #tpu.memory_space<vmem>>, %arg12: memref<16xi32, #tpu.memory_space<vmem>>, %arg13: memref<16x16xi32, #tpu.memory_space<vmem>>, %arg14: memref<16xf32, #tpu.memory_space<vmem>>, %arg15: memref<16x16xf32, #tpu.memory_space<vmem>>, %arg16: memref<!tpu.dma_semaphore, #tpu.memory_space<semaphore_mem>>, %arg17: memref<!tpu.dma_semaphore, #tpu.memory_space<semaphore_mem>>) attributes {dimension_semantics = [#tpu.dimension_semantics<core_parallel>, #tpu.dimension_semantics<subcore_parallel>], iteration_bounds = array<i64: 2, 16>, scalar_prefetch = 0 : i64, scratch_operands = 11 : i64, tpu.core_type = #tpu.core_type<sc_vector_subcore>, window_params = [{transform_indices = #map}, {transform_indices = #map}, {transform_indices = #map}, {transform_indices = #map1}, {transform_indices = #map1}]} {
    %iota3A = tpu.iota {dimensions = array<i32: 0>} : vector<16xi32>
    %mul3A = arith.constant 2 : i32
    %mul3A_0 = arith.muli %arg1, %mul3A : i32
    %add3A = arith.addi %mul3A_0, %arg0 : i32
    %mul3A_1 = arith.constant 1024 : i32
    %mul3A_2 = arith.muli %add3A, %mul3A_1 : i32
    %dma_start3A = tpu.memref_slice %arg2[%mul3A_2] : memref<32768xf32, #tpu.memory_space<hbm>> -> memref<1024xf32, #tpu.memory_space<hbm>>
    %dma_start3A_3 = tpu.memref_slice %arg2[%mul3A_2] : memref<32768xf32, #tpu.memory_space<hbm>> -> memref<1024xf32, #tpu.memory_space<hbm>>
    tpu.enqueue_dma source(%dma_start3A_3 : memref<1024xf32, #tpu.memory_space<hbm>>) target(%arg10 : memref<1024xf32, #tpu.memory_space<vmem>>) target_semaphore(%arg16 : memref<!tpu.dma_semaphore, #tpu.memory_space<semaphore_mem>>)
    %mul3A_4 = arith.constant 2048 : i32
    %mul3A_5 = arith.muli %arg1, %mul3A_4 : i32
    "tpu.region"() ({
      %run_scoped3A = tpu.sem_alloc : memref<!tpu.dma_semaphore, #tpu.memory_space<semaphore_mem>>
      %dma_start3A_384 = tpu.memref_slice %arg3[%mul3A_5] : memref<32768xi32, #tpu.memory_space<hbm>> -> memref<2048xi32, #tpu.memory_space<hbm>>
      %dma_start3A_385 = tpu.memref_slice %arg3[%mul3A_5] : memref<32768xi32, #tpu.memory_space<hbm>> -> memref<2048xi32, #tpu.memory_space<hbm>>
      tpu.enqueue_dma source(%dma_start3A_385 : memref<2048xi32, #tpu.memory_space<hbm>>) target(%arg7 : memref<2048xi32, #tpu.memory_space<vmem>>) target_semaphore(%run_scoped3A : memref<!tpu.dma_semaphore, #tpu.memory_space<semaphore_mem>>)
      %dma_wait3A_386 = tpu.memref_slice %arg3[%mul3A_5] : memref<32768xi32, #tpu.memory_space<hbm>> -> memref<2048xi32, #tpu.memory_space<hbm>>
      %dma_wait3A_387 = tpu.memref_slice %arg3[%mul3A_5] : memref<32768xi32, #tpu.memory_space<hbm>> -> memref<2048xi32, #tpu.memory_space<hbm>>
      tpu.wait_dma2 semaphore(%run_scoped3A : memref<!tpu.dma_semaphore, #tpu.memory_space<semaphore_mem>>) src(%dma_wait3A_387 : memref<2048xi32, #tpu.memory_space<hbm>>) dst(%arg7 : memref<2048xi32, #tpu.memory_space<vmem>>)
      tpu.yield
    }) : () -> ()
    %broadcast_in_dim3A = arith.constant 0 : i32
    %broadcast_in_dim3A_6 = vector.broadcast %broadcast_in_dim3A : i32 to vector<16xi32>
    %broadcast_in_dim3A_7 = arith.constant 2048 : i32
    %broadcast_in_dim3A_8 = vector.broadcast %broadcast_in_dim3A_7 : i32 to vector<16xi32>
    %scan3A = arith.constant 0 : i32
    %scan3A_9 = arith.constant 12 : i32
    %scan3A_10 = arith.addi %scan3A, %scan3A_9 : i32
    %scan3A_11 = arith.constant 1 : i32
    %scan3A_12:2 = scf.for %scan3A_384 = %scan3A to %scan3A_10 step %scan3A_11 iter_args(%scan3A_385 = %broadcast_in_dim3A_6, %scan3A_386 = %broadcast_in_dim3A_8) -> (vector<16xi32>, vector<16xi32>)  : i32 {
      %lt3A = arith.cmpi slt, %scan3A_385, %scan3A_386 : vector<16xi32>
      %add3A_387 = arith.addi %scan3A_385, %scan3A_386 : vector<16xi32>
      %jit3A_388 = arith.constant 2 : i32
      %div3A_389 = vector.broadcast %jit3A_388 : i32 to vector<16xi32>
      %div3A_390 = arith.divsi %add3A_387, %div3A_389 : vector<16xi32>
      %sign3A_391 = arith.constant 0 : i32
      %sign3A_392 = vector.broadcast %sign3A_391 : i32 to vector<16xi32>
      %sign3A_393 = arith.cmpi sgt, %add3A_387, %sign3A_392 : vector<16xi32>
      %sign3A_394 = arith.extui %sign3A_393 : vector<16xi1> to vector<16xi32>
      %sign3A_395 = arith.constant 0 : i32
      %sign3A_396 = vector.broadcast %sign3A_395 : i32 to vector<16xi32>
      %sign3A_397 = arith.cmpi slt, %add3A_387, %sign3A_396 : vector<16xi32>
      %sign3A_398 = arith.extui %sign3A_397 : vector<16xi1> to vector<16xi32>
      %sign3A_399 = arith.subi %sign3A_394, %sign3A_398 : vector<16xi32>
      %sign3A_400 = arith.constant 0 : i32
      %sign3A_401 = arith.cmpi sgt, %jit3A_388, %sign3A_400 : i32
      %sign3A_402 = arith.extui %sign3A_401 : i1 to i32
      %sign3A_403 = arith.constant 0 : i32
      %sign3A_404 = arith.cmpi slt, %jit3A_388, %sign3A_403 : i32
      %sign3A_405 = arith.extui %sign3A_404 : i1 to i32
      %sign3A_406 = arith.subi %sign3A_402, %sign3A_405 : i32
      %ne3A_407 = vector.broadcast %sign3A_406 : i32 to vector<16xi32>
      %ne3A_408 = arith.cmpi ne, %sign3A_399, %ne3A_407 : vector<16xi32>
      %rem3A_409 = vector.broadcast %jit3A_388 : i32 to vector<16xi32>
      %rem3A_410 = arith.remsi %add3A_387, %rem3A_409 : vector<16xi32>
      %ne3A_411 = arith.constant 0 : i32
      %ne3A_412 = vector.broadcast %ne3A_411 : i32 to vector<16xi32>
      %ne3A_413 = arith.cmpi ne, %rem3A_410, %ne3A_412 : vector<16xi32>
      %and3A_414 = arith.andi %ne3A_408, %ne3A_413 : vector<16xi1>
      %sub3A_415 = arith.constant 1 : i32
      %sub3A_416 = vector.broadcast %sub3A_415 : i32 to vector<16xi32>
      %sub3A_417 = arith.subi %div3A_390, %sub3A_416 : vector<16xi32>
      %select_n3A_418 = arith.select %and3A_414, %sub3A_417, %div3A_390 : vector<16xi1>, vector<16xi32>
      %min3A_419 = arith.constant 2047 : i32
      %min3A_420 = vector.broadcast %min3A_419 : i32 to vector<16xi32>
      %min3A_421 = arith.minsi %select_n3A_418, %min3A_420 : vector<16xi32>
      %gather3A = tpu.vector_load_idx %arg7[%min3A_421] : memref<2048xi32, #tpu.memory_space<vmem>>[vector<16xi32>], vector<16xi32>,
      %lt3A_422 = arith.cmpi slt, %gather3A, %iota3A : vector<16xi32>
      %and3A_423 = arith.andi %lt3A, %lt3A_422 : vector<16xi1>
      %not3A = arith.constant dense<true> : vector<16xi1>
      %not3A_424 = arith.xori %lt3A_422, %not3A : vector<16xi1>
      %and3A_425 = arith.andi %lt3A, %not3A_424 : vector<16xi1>
      %add3A_426 = arith.constant 1 : i32
      %add3A_427 = vector.broadcast %add3A_426 : i32 to vector<16xi32>
      %add3A_428 = arith.addi %min3A_421, %add3A_427 : vector<16xi32>
      %select_n3A_429 = arith.select %and3A_423, %add3A_428, %scan3A_385 : vector<16xi1>, vector<16xi32>
      %select_n3A_430 = arith.select %and3A_425, %min3A_421, %scan3A_386 : vector<16xi1>, vector<16xi32>
      scf.yield %select_n3A_429, %select_n3A_430 : vector<16xi32>, vector<16xi32>
    }
    %scan3A_13 = arith.constant 12 : i32
    %swap3A = arith.constant 0 : index
    %swap3A_14 = tpu.vector_load %arg12[%swap3A] {strides = array<i32>} : memref<16xi32, #tpu.memory_space<vmem>>, vector<16xi32>,
    tpu.vector_store %arg12[%swap3A], %scan3A_12#0 {strides = array<i32>} : memref<16xi32, #tpu.memory_space<vmem>>, vector<16xi32>,
    "tpu.region"() ({
      %run_scoped3A = tpu.sem_alloc : memref<!tpu.dma_semaphore, #tpu.memory_space<semaphore_mem>>
      %dma_start3A_384 = arith.constant 0 : i32
      %dma_start3A_385 = tpu.memref_slice %arg5[%arg1, %dma_start3A_384] : memref<16x16xi32, #tpu.memory_space<hbm>> -> memref<1x16xi32, #tpu.memory_space<hbm>>
      %dma_start3A_386 = tpu.memref_squeeze %dma_start3A_385 : memref<1x16xi32, #tpu.memory_space<hbm>> -> memref<16xi32, #tpu.memory_space<hbm>>
      %dma_start3A_387 = arith.constant 0 : i32
      %dma_start3A_388 = tpu.memref_slice %arg5[%arg1, %dma_start3A_387] : memref<16x16xi32, #tpu.memory_space<hbm>> -> memref<1x16xi32, #tpu.memory_space<hbm>>
      %dma_start3A_389 = tpu.memref_squeeze %dma_start3A_388 : memref<1x16xi32, #tpu.memory_space<hbm>> -> memref<16xi32, #tpu.memory_space<hbm>>
      tpu.enqueue_dma source(%arg12 : memref<16xi32, #tpu.memory_space<vmem>>) target(%dma_start3A_389 : memref<16xi32, #tpu.memory_space<hbm>>) target_semaphore(%run_scoped3A : memref<!tpu.dma_semaphore, #tpu.memory_space<semaphore_mem>>)
      %dma_wait3A_390 = arith.constant 0 : i32
      %dma_wait3A_391 = tpu.memref_slice %arg5[%arg1, %dma_wait3A_390] : memref<16x16xi32, #tpu.memory_space<hbm>> -> memref<1x16xi32, #tpu.memory_space<hbm>>
      %dma_wait3A_392 = tpu.memref_squeeze %dma_wait3A_391 : memref<1x16xi32, #tpu.memory_space<hbm>> -> memref<16xi32, #tpu.memory_space<hbm>>
      %dma_wait3A_393 = arith.constant 0 : i32
      %dma_wait3A_394 = tpu.memref_slice %arg5[%arg1, %dma_wait3A_393] : memref<16x16xi32, #tpu.memory_space<hbm>> -> memref<1x16xi32, #tpu.memory_space<hbm>>
      %dma_wait3A_395 = tpu.memref_squeeze %dma_wait3A_394 : memref<1x16xi32, #tpu.memory_space<hbm>> -> memref<16xi32, #tpu.memory_space<hbm>>
      tpu.wait_dma2 semaphore(%run_scoped3A : memref<!tpu.dma_semaphore, #tpu.memory_space<semaphore_mem>>) src(%arg12 : memref<16xi32, #tpu.memory_space<vmem>>) dst(%dma_wait3A_395 : memref<16xi32, #tpu.memory_space<hbm>>)
      tpu.yield
    }) : () -> ()
    %barrier3A = arith.constant 0 : index
    tpu.barrier barrier_id(%barrier3A)
    "tpu.region"() ({
      %run_scoped3A = tpu.sem_alloc : memref<!tpu.dma_semaphore, #tpu.memory_space<semaphore_mem>>
      tpu.enqueue_dma source(%arg5 : memref<16x16xi32, #tpu.memory_space<hbm>>) target(%arg13 : memref<16x16xi32, #tpu.memory_space<vmem>>) target_semaphore(%run_scoped3A : memref<!tpu.dma_semaphore, #tpu.memory_space<semaphore_mem>>)
      tpu.wait_dma2 semaphore(%run_scoped3A : memref<!tpu.dma_semaphore, #tpu.memory_space<semaphore_mem>>) src(%arg5 : memref<16x16xi32, #tpu.memory_space<hbm>>) dst(%arg13 : memref<16x16xi32, #tpu.memory_space<vmem>>)
      tpu.yield
    }) : () -> ()
    %get3A = arith.constant 0 : i32
    %get3A_15 = arith.index_cast %get3A : i32 to index
    %get3A_16 = arith.constant 0 : index
    %get3A_17 = tpu.vector_load %arg13[%get3A_15, %get3A_16] {strides = array<i32>} : memref<16x16xi32, #tpu.memory_space<vmem>>, vector<16xi32>,
    %get3A_18 = arith.constant 1 : i32
    %get3A_19 = arith.index_cast %get3A_18 : i32 to index
    %get3A_20 = arith.constant 0 : index
    %get3A_21 = tpu.vector_load %arg13[%get3A_19, %get3A_20] {strides = array<i32>} : memref<16x16xi32, #tpu.memory_space<vmem>>, vector<16xi32>,
    %add3A_22 = arith.addi %get3A_17, %get3A_21 : vector<16xi32>
    %get3A_23 = arith.constant 2 : i32
    %get3A_24 = arith.index_cast %get3A_23 : i32 to index
    %get3A_25 = arith.constant 0 : index
    %get3A_26 = tpu.vector_load %arg13[%get3A_24, %get3A_25] {strides = array<i32>} : memref<16x16xi32, #tpu.memory_space<vmem>>, vector<16xi32>,
    %add3A_27 = arith.addi %add3A_22, %get3A_26 : vector<16xi32>
    %get3A_28 = arith.constant 3 : i32
    %get3A_29 = arith.index_cast %get3A_28 : i32 to index
    %get3A_30 = arith.constant 0 : index
    %get3A_31 = tpu.vector_load %arg13[%get3A_29, %get3A_30] {strides = array<i32>} : memref<16x16xi32, #tpu.memory_space<vmem>>, vector<16xi32>,
    %add3A_32 = arith.addi %add3A_27, %get3A_31 : vector<16xi32>
    %get3A_33 = arith.constant 4 : i32
    %get3A_34 = arith.index_cast %get3A_33 : i32 to index
    %get3A_35 = arith.constant 0 : index
    %get3A_36 = tpu.vector_load %arg13[%get3A_34, %get3A_35] {strides = array<i32>} : memref<16x16xi32, #tpu.memory_space<vmem>>, vector<16xi32>,
    %add3A_37 = arith.addi %add3A_32, %get3A_36 : vector<16xi32>
    %get3A_38 = arith.constant 5 : i32
    %get3A_39 = arith.index_cast %get3A_38 : i32 to index
    %get3A_40 = arith.constant 0 : index
    %get3A_41 = tpu.vector_load %arg13[%get3A_39, %get3A_40] {strides = array<i32>} : memref<16x16xi32, #tpu.memory_space<vmem>>, vector<16xi32>,
    %add3A_42 = arith.addi %add3A_37, %get3A_41 : vector<16xi32>
    %get3A_43 = arith.constant 6 : i32
    %get3A_44 = arith.index_cast %get3A_43 : i32 to index
    %get3A_45 = arith.constant 0 : index
    %get3A_46 = tpu.vector_load %arg13[%get3A_44, %get3A_45] {strides = array<i32>} : memref<16x16xi32, #tpu.memory_space<vmem>>, vector<16xi32>,
    %add3A_47 = arith.addi %add3A_42, %get3A_46 : vector<16xi32>
    %get3A_48 = arith.constant 7 : i32
    %get3A_49 = arith.index_cast %get3A_48 : i32 to index
    %get3A_50 = arith.constant 0 : index
    %get3A_51 = tpu.vector_load %arg13[%get3A_49, %get3A_50] {strides = array<i32>} : memref<16x16xi32, #tpu.memory_space<vmem>>, vector<16xi32>,
    %add3A_52 = arith.addi %add3A_47, %get3A_51 : vector<16xi32>
    %get3A_53 = arith.constant 8 : i32
    %get3A_54 = arith.index_cast %get3A_53 : i32 to index
    %get3A_55 = arith.constant 0 : index
    %get3A_56 = tpu.vector_load %arg13[%get3A_54, %get3A_55] {strides = array<i32>} : memref<16x16xi32, #tpu.memory_space<vmem>>, vector<16xi32>,
    %add3A_57 = arith.addi %add3A_52, %get3A_56 : vector<16xi32>
    %get3A_58 = arith.constant 9 : i32
    %get3A_59 = arith.index_cast %get3A_58 : i32 to index
    %get3A_60 = arith.constant 0 : index
    %get3A_61 = tpu.vector_load %arg13[%get3A_59, %get3A_60] {strides = array<i32>} : memref<16x16xi32, #tpu.memory_space<vmem>>, vector<16xi32>,
    %add3A_62 = arith.addi %add3A_57, %get3A_61 : vector<16xi32>
    %get3A_63 = arith.constant 10 : i32
    %get3A_64 = arith.index_cast %get3A_63 : i32 to index
    %get3A_65 = arith.constant 0 : index
    %get3A_66 = tpu.vector_load %arg13[%get3A_64, %get3A_65] {strides = array<i32>} : memref<16x16xi32, #tpu.memory_space<vmem>>, vector<16xi32>,
    %add3A_67 = arith.addi %add3A_62, %get3A_66 : vector<16xi32>
    %get3A_68 = arith.constant 11 : i32
    %get3A_69 = arith.index_cast %get3A_68 : i32 to index
    %get3A_70 = arith.constant 0 : index
    %get3A_71 = tpu.vector_load %arg13[%get3A_69, %get3A_70] {strides = array<i32>} : memref<16x16xi32, #tpu.memory_space<vmem>>, vector<16xi32>,
    %add3A_72 = arith.addi %add3A_67, %get3A_71 : vector<16xi32>
    %get3A_73 = arith.constant 12 : i32
    %get3A_74 = arith.index_cast %get3A_73 : i32 to index
    %get3A_75 = arith.constant 0 : index
    %get3A_76 = tpu.vector_load %arg13[%get3A_74, %get3A_75] {strides = array<i32>} : memref<16x16xi32, #tpu.memory_space<vmem>>, vector<16xi32>,
    %add3A_77 = arith.addi %add3A_72, %get3A_76 : vector<16xi32>
    %get3A_78 = arith.constant 13 : i32
    %get3A_79 = arith.index_cast %get3A_78 : i32 to index
    %get3A_80 = arith.constant 0 : index
    %get3A_81 = tpu.vector_load %arg13[%get3A_79, %get3A_80] {strides = array<i32>} : memref<16x16xi32, #tpu.memory_space<vmem>>, vector<16xi32>,
    %add3A_82 = arith.addi %add3A_77, %get3A_81 : vector<16xi32>
    %get3A_83 = arith.constant 14 : i32
    %get3A_84 = arith.index_cast %get3A_83 : i32 to index
    %get3A_85 = arith.constant 0 : index
    %get3A_86 = tpu.vector_load %arg13[%get3A_84, %get3A_85] {strides = array<i32>} : memref<16x16xi32, #tpu.memory_space<vmem>>, vector<16xi32>,
    %add3A_87 = arith.addi %add3A_82, %get3A_86 : vector<16xi32>
    %get3A_88 = arith.constant 15 : i32
    %get3A_89 = arith.index_cast %get3A_88 : i32 to index
    %get3A_90 = arith.constant 0 : index
    %get3A_91 = tpu.vector_load %arg13[%get3A_89, %get3A_90] {strides = array<i32>} : memref<16x16xi32, #tpu.memory_space<vmem>>, vector<16xi32>,
    %add3A_92 = arith.addi %add3A_87, %get3A_91 : vector<16xi32>
    %convert_element_type3A = arith.sitofp %add3A_92 : vector<16xi32> to vector<16xf32>
    %eq3A = vector.broadcast %arg1 : i32 to vector<16xi32>
    %eq3A_93 = arith.cmpi eq, %iota3A, %eq3A : vector<16xi32>
    %jit3A = arith.constant 0.000000e+00 : f32
    %broadcast_in_dim3A_94 = vector.broadcast %jit3A : f32 to vector<16xf32>
    %select_n3A = arith.select %eq3A_93, %convert_element_type3A, %broadcast_in_dim3A_94 : vector<16xi1>, vector<16xf32>
    %broadcast_in_dim3A_95 = arith.constant true
    %broadcast_in_dim3A_96 = vector.broadcast %broadcast_in_dim3A_95 : i1 to vector<16xi1>
    %masked_cummax3A = tpu.scan <max>, %select_n3A masked %broadcast_in_dim3A_96 : vector<16xf32>, vector<16xi1> -> vector<16xf32>
    %slice3A = vector.extract_strided_slice %masked_cummax3A {offsets = [15], sizes = [1], strides = [1]} : vector<16xf32> to vector<1xf32>
    %squeeze3A = vector.extract %slice3A[0] : f32 from vector<1xf32>
    %add3A_97 = arith.constant 1 : i32
    %add3A_98 = arith.addi %arg1, %add3A_97 : i32
    %eq3A_99 = vector.broadcast %add3A_98 : i32 to vector<16xi32>
    %eq3A_100 = arith.cmpi eq, %iota3A, %eq3A_99 : vector<16xi32>
    %jit3A_101 = arith.constant 0.000000e+00 : f32
    %broadcast_in_dim3A_102 = vector.broadcast %jit3A_101 : f32 to vector<16xf32>
    %select_n3A_103 = arith.select %eq3A_100, %convert_element_type3A, %broadcast_in_dim3A_102 : vector<16xi1>, vector<16xf32>
    %broadcast_in_dim3A_104 = arith.constant true
    %broadcast_in_dim3A_105 = vector.broadcast %broadcast_in_dim3A_104 : i1 to vector<16xi1>
    %masked_cummax3A_106 = tpu.scan <max>, %select_n3A_103 masked %broadcast_in_dim3A_105 : vector<16xf32>, vector<16xi1> -> vector<16xf32>
    %slice3A_107 = vector.extract_strided_slice %masked_cummax3A_106 {offsets = [15], sizes = [1], strides = [1]} : vector<16xf32> to vector<1xf32>
    %squeeze3A_108 = vector.extract %slice3A_107[0] : f32 from vector<1xf32>
    %convert_element_type3A_109 = arith.fptosi %squeeze3A : f32 to i32
    %eq3A_110 = arith.constant 15 : i32
    %eq3A_111 = arith.cmpi eq, %arg1, %eq3A_110 : i32
    %convert_element_type3A_112 = arith.fptosi %squeeze3A_108 : f32 to i32
    %jit3A_113 = arith.constant 32768 : i32
    %select_n3A_114 = arith.select %eq3A_111, %jit3A_113, %convert_element_type3A_112 : i32
    %jit3A_115 = arith.constant 2048 : i32
    %div3A = arith.divsi %convert_element_type3A_109, %jit3A_115 : i32
    %sign3A = arith.constant 0 : i32
    %sign3A_116 = arith.cmpi sgt, %convert_element_type3A_109, %sign3A : i32
    %sign3A_117 = arith.extui %sign3A_116 : i1 to i32
    %sign3A_118 = arith.constant 0 : i32
    %sign3A_119 = arith.cmpi slt, %convert_element_type3A_109, %sign3A_118 : i32
    %sign3A_120 = arith.extui %sign3A_119 : i1 to i32
    %sign3A_121 = arith.subi %sign3A_117, %sign3A_120 : i32
    %sign3A_122 = arith.constant 0 : i32
    %sign3A_123 = arith.cmpi sgt, %jit3A_115, %sign3A_122 : i32
    %sign3A_124 = arith.extui %sign3A_123 : i1 to i32
    %sign3A_125 = arith.constant 0 : i32
    %sign3A_126 = arith.cmpi slt, %jit3A_115, %sign3A_125 : i32
    %sign3A_127 = arith.extui %sign3A_126 : i1 to i32
    %sign3A_128 = arith.subi %sign3A_124, %sign3A_127 : i32
    %ne3A = arith.cmpi ne, %sign3A_121, %sign3A_128 : i32
    %rem3A = arith.remsi %convert_element_type3A_109, %jit3A_115 : i32
    %ne3A_129 = arith.constant 0 : i32
    %ne3A_130 = arith.cmpi ne, %rem3A, %ne3A_129 : i32
    %and3A = arith.andi %ne3A, %ne3A_130 : i1
    %sub3A = arith.constant 1 : i32
    %sub3A_131 = arith.subi %div3A, %sub3A : i32
    %select_n3A_132 = arith.select %and3A, %sub3A_131, %div3A : i32
    %mul3A_133 = arith.constant 2048 : i32
    %mul3A_134 = arith.muli %select_n3A_132, %mul3A_133 : i32
    %sub3A_135 = arith.subi %select_n3A_114, %mul3A_134 : i32
    %add3A_136 = arith.constant 2048 : i32
    %add3A_137 = arith.addi %sub3A_135, %add3A_136 : i32
    %sub3A_138 = arith.constant 1 : i32
    %sub3A_139 = arith.subi %add3A_137, %sub3A_138 : i32
    %jit3A_140 = arith.constant 2048 : i32
    %div3A_141 = arith.divsi %sub3A_139, %jit3A_140 : i32
    %sign3A_142 = arith.constant 0 : i32
    %sign3A_143 = arith.cmpi sgt, %sub3A_139, %sign3A_142 : i32
    %sign3A_144 = arith.extui %sign3A_143 : i1 to i32
    %sign3A_145 = arith.constant 0 : i32
    %sign3A_146 = arith.cmpi slt, %sub3A_139, %sign3A_145 : i32
    %sign3A_147 = arith.extui %sign3A_146 : i1 to i32
    %sign3A_148 = arith.subi %sign3A_144, %sign3A_147 : i32
    %sign3A_149 = arith.constant 0 : i32
    %sign3A_150 = arith.cmpi sgt, %jit3A_140, %sign3A_149 : i32
    %sign3A_151 = arith.extui %sign3A_150 : i1 to i32
    %sign3A_152 = arith.constant 0 : i32
    %sign3A_153 = arith.cmpi slt, %jit3A_140, %sign3A_152 : i32
    %sign3A_154 = arith.extui %sign3A_153 : i1 to i32
    %sign3A_155 = arith.subi %sign3A_151, %sign3A_154 : i32
    %ne3A_156 = arith.cmpi ne, %sign3A_148, %sign3A_155 : i32
    %rem3A_157 = arith.remsi %sub3A_139, %jit3A_140 : i32
    %ne3A_158 = arith.constant 0 : i32
    %ne3A_159 = arith.cmpi ne, %rem3A_157, %ne3A_158 : i32
    %and3A_160 = arith.andi %ne3A_156, %ne3A_159 : i1
    %sub3A_161 = arith.constant 1 : i32
    %sub3A_162 = arith.subi %div3A_141, %sub3A_161 : i32
    %select_n3A_163 = arith.select %and3A_160, %sub3A_162, %div3A_141 : i32
    %mul3A_164 = arith.constant 2048 : i32
    %mul3A_165 = arith.muli %select_n3A_163, %mul3A_164 : i32
    %sub3A_166 = arith.constant 32768 : i32
    %sub3A_167 = arith.subi %sub3A_166, %mul3A_165 : i32
    %min3A = arith.minsi %mul3A_134, %sub3A_167 : i32
    %while3A = arith.constant 0 : i32
    %while3A_168 = arith.constant 0 : i32
    %while3A_169 = arith.subi %select_n3A_163, %while3A_168 : i32
    %while3A_170 = arith.addi %while3A_168, %while3A_169 : i32
    %while3A_171 = arith.constant 1 : i32
    %while3A_172 = arith.divsi %while3A_169, %while3A_171 : i32
    %while3A_173 = arith.muli %while3A_172, %while3A_171 : i32
    %while3A_174 = arith.addi %while3A_168, %while3A_173 : i32
    %while3A_175 = arith.constant 1 : i32
    scf.for %while3A_384 = %while3A_168 to %while3A_174 step %while3A_175  : i32 {
      %mul3A_385 = arith.constant 2048 : i32
      %mul3A_386 = arith.muli %while3A_384, %mul3A_385 : i32
      %add3A_387 = arith.addi %min3A, %mul3A_386 : i32
      %mul3A_388 = arith.constant 2048 : i32
      %mul3A_389 = arith.muli %while3A_384, %mul3A_388 : i32
      %dma_start3A_390 = tpu.memref_slice %arg8[%mul3A_389] : memref<32896xf32, #tpu.memory_space<vmem>> -> memref<2048xf32, #tpu.memory_space<vmem>>
      %dma_start3A_391 = tpu.memref_slice %arg2[%add3A_387] : memref<32768xf32, #tpu.memory_space<hbm>> -> memref<2048xf32, #tpu.memory_space<hbm>>
      %dma_start3A_392 = tpu.memref_slice %arg8[%mul3A_389] : memref<32896xf32, #tpu.memory_space<vmem>> -> memref<2048xf32, #tpu.memory_space<vmem>>
      %dma_start3A_393 = tpu.memref_slice %arg2[%add3A_387] : memref<32768xf32, #tpu.memory_space<hbm>> -> memref<2048xf32, #tpu.memory_space<hbm>>
      tpu.enqueue_dma source(%dma_start3A_393 : memref<2048xf32, #tpu.memory_space<hbm>>) target(%dma_start3A_392 : memref<2048xf32, #tpu.memory_space<vmem>>) target_semaphore(%arg17 : memref<!tpu.dma_semaphore, #tpu.memory_space<semaphore_mem>>)
    }
    %while3A_176 = arith.constant 1 : i32
    scf.for %while3A_384 = %while3A_174 to %while3A_170 step %while3A_176  : i32 {
      %mul3A_385 = arith.constant 2048 : i32
      %mul3A_386 = arith.muli %while3A_384, %mul3A_385 : i32
      %add3A_387 = arith.addi %min3A, %mul3A_386 : i32
      %mul3A_388 = arith.constant 2048 : i32
      %mul3A_389 = arith.muli %while3A_384, %mul3A_388 : i32
      %dma_start3A_390 = tpu.memref_slice %arg8[%mul3A_389] : memref<32896xf32, #tpu.memory_space<vmem>> -> memref<2048xf32, #tpu.memory_space<vmem>>
      %dma_start3A_391 = tpu.memref_slice %arg2[%add3A_387] : memref<32768xf32, #tpu.memory_space<hbm>> -> memref<2048xf32, #tpu.memory_space<hbm>>
      %dma_start3A_392 = tpu.memref_slice %arg8[%mul3A_389] : memref<32896xf32, #tpu.memory_space<vmem>> -> memref<2048xf32, #tpu.memory_space<vmem>>
      %dma_start3A_393 = tpu.memref_slice %arg2[%add3A_387] : memref<32768xf32, #tpu.memory_space<hbm>> -> memref<2048xf32, #tpu.memory_space<hbm>>
      tpu.enqueue_dma source(%dma_start3A_393 : memref<2048xf32, #tpu.memory_space<hbm>>) target(%dma_start3A_392 : memref<2048xf32, #tpu.memory_space<vmem>>) target_semaphore(%arg17 : memref<!tpu.dma_semaphore, #tpu.memory_space<semaphore_mem>>)
    }
    %while3A_177 = arith.constant 0 : i32
    %while3A_178 = arith.constant 0 : i32
    %while3A_179 = arith.subi %select_n3A_163, %while3A_178 : i32
    %while3A_180 = arith.addi %while3A_178, %while3A_179 : i32
    %while3A_181 = arith.constant 1 : i32
    %while3A_182 = arith.divsi %while3A_179, %while3A_181 : i32
    %while3A_183 = arith.muli %while3A_182, %while3A_181 : i32
    %while3A_184 = arith.addi %while3A_178, %while3A_183 : i32
    %while3A_185 = arith.constant 1 : i32
    scf.for %while3A_384 = %while3A_178 to %while3A_184 step %while3A_185  : i32 {
      %mul3A_385 = arith.constant 2048 : i32
      %mul3A_386 = arith.muli %while3A_384, %mul3A_385 : i32
      %add3A_387 = arith.addi %min3A, %mul3A_386 : i32
      %mul3A_388 = arith.constant 2048 : i32
      %mul3A_389 = arith.muli %while3A_384, %mul3A_388 : i32
      %dma_wait3A_390 = tpu.memref_slice %arg8[%mul3A_389] : memref<32896xf32, #tpu.memory_space<vmem>> -> memref<2048xf32, #tpu.memory_space<vmem>>
      %dma_wait3A_391 = tpu.memref_slice %arg2[%add3A_387] : memref<32768xf32, #tpu.memory_space<hbm>> -> memref<2048xf32, #tpu.memory_space<hbm>>
      %dma_wait3A_392 = tpu.memref_slice %arg8[%mul3A_389] : memref<32896xf32, #tpu.memory_space<vmem>> -> memref<2048xf32, #tpu.memory_space<vmem>>
      %dma_wait3A_393 = tpu.memref_slice %arg2[%add3A_387] : memref<32768xf32, #tpu.memory_space<hbm>> -> memref<2048xf32, #tpu.memory_space<hbm>>
      tpu.wait_dma2 semaphore(%arg17 : memref<!tpu.dma_semaphore, #tpu.memory_space<semaphore_mem>>) src(%dma_wait3A_393 : memref<2048xf32, #tpu.memory_space<hbm>>) dst(%dma_wait3A_392 : memref<2048xf32, #tpu.memory_space<vmem>>)
    }
    %while3A_186 = arith.constant 1 : i32
    scf.for %while3A_384 = %while3A_184 to %while3A_180 step %while3A_186  : i32 {
      %mul3A_385 = arith.constant 2048 : i32
      %mul3A_386 = arith.muli %while3A_384, %mul3A_385 : i32
      %add3A_387 = arith.addi %min3A, %mul3A_386 : i32
      %mul3A_388 = arith.constant 2048 : i32
      %mul3A_389 = arith.muli %while3A_384, %mul3A_388 : i32
      %dma_wait3A_390 = tpu.memref_slice %arg8[%mul3A_389] : memref<32896xf32, #tpu.memory_space<vmem>> -> memref<2048xf32, #tpu.memory_space<vmem>>
      %dma_wait3A_391 = tpu.memref_slice %arg2[%add3A_387] : memref<32768xf32, #tpu.memory_space<hbm>> -> memref<2048xf32, #tpu.memory_space<hbm>>
      %dma_wait3A_392 = tpu.memref_slice %arg8[%mul3A_389] : memref<32896xf32, #tpu.memory_space<vmem>> -> memref<2048xf32, #tpu.memory_space<vmem>>
      %dma_wait3A_393 = tpu.memref_slice %arg2[%add3A_387] : memref<32768xf32, #tpu.memory_space<hbm>> -> memref<2048xf32, #tpu.memory_space<hbm>>
      tpu.wait_dma2 semaphore(%arg17 : memref<!tpu.dma_semaphore, #tpu.memory_space<semaphore_mem>>) src(%dma_wait3A_393 : memref<2048xf32, #tpu.memory_space<hbm>>) dst(%dma_wait3A_392 : memref<2048xf32, #tpu.memory_space<vmem>>)
    }
    %sub3A_187 = arith.subi %convert_element_type3A_109, %min3A : i32
    %sub3A_188 = arith.subi %select_n3A_114, %min3A : i32
    %jit3A_189 = arith.constant 16 : i32
    %div3A_190 = arith.divsi %sub3A_187, %jit3A_189 : i32
    %sign3A_191 = arith.constant 0 : i32
    %sign3A_192 = arith.cmpi sgt, %sub3A_187, %sign3A_191 : i32
    %sign3A_193 = arith.extui %sign3A_192 : i1 to i32
    %sign3A_194 = arith.constant 0 : i32
    %sign3A_195 = arith.cmpi slt, %sub3A_187, %sign3A_194 : i32
    %sign3A_196 = arith.extui %sign3A_195 : i1 to i32
    %sign3A_197 = arith.subi %sign3A_193, %sign3A_196 : i32
    %sign3A_198 = arith.constant 0 : i32
    %sign3A_199 = arith.cmpi sgt, %jit3A_189, %sign3A_198 : i32
    %sign3A_200 = arith.extui %sign3A_199 : i1 to i32
    %sign3A_201 = arith.constant 0 : i32
    %sign3A_202 = arith.cmpi slt, %jit3A_189, %sign3A_201 : i32
    %sign3A_203 = arith.extui %sign3A_202 : i1 to i32
    %sign3A_204 = arith.subi %sign3A_200, %sign3A_203 : i32
    %ne3A_205 = arith.cmpi ne, %sign3A_197, %sign3A_204 : i32
    %rem3A_206 = arith.remsi %sub3A_187, %jit3A_189 : i32
    %ne3A_207 = arith.constant 0 : i32
    %ne3A_208 = arith.cmpi ne, %rem3A_206, %ne3A_207 : i32
    %and3A_209 = arith.andi %ne3A_205, %ne3A_208 : i1
    %sub3A_210 = arith.constant 1 : i32
    %sub3A_211 = arith.subi %div3A_190, %sub3A_210 : i32
    %select_n3A_212 = arith.select %and3A_209, %sub3A_211, %div3A_190 : i32
    %add3A_213 = arith.constant 16 : i32
    %add3A_214 = arith.addi %sub3A_188, %add3A_213 : i32
    %sub3A_215 = arith.constant 1 : i32
    %sub3A_216 = arith.subi %add3A_214, %sub3A_215 : i32
    %jit3A_217 = arith.constant 16 : i32
    %div3A_218 = arith.divsi %sub3A_216, %jit3A_217 : i32
    %sign3A_219 = arith.constant 0 : i32
    %sign3A_220 = arith.cmpi sgt, %sub3A_216, %sign3A_219 : i32
    %sign3A_221 = arith.extui %sign3A_220 : i1 to i32
    %sign3A_222 = arith.constant 0 : i32
    %sign3A_223 = arith.cmpi slt, %sub3A_216, %sign3A_222 : i32
    %sign3A_224 = arith.extui %sign3A_223 : i1 to i32
    %sign3A_225 = arith.subi %sign3A_221, %sign3A_224 : i32
    %sign3A_226 = arith.constant 0 : i32
    %sign3A_227 = arith.cmpi sgt, %jit3A_217, %sign3A_226 : i32
    %sign3A_228 = arith.extui %sign3A_227 : i1 to i32
    %sign3A_229 = arith.constant 0 : i32
    %sign3A_230 = arith.cmpi slt, %jit3A_217, %sign3A_229 : i32
    %sign3A_231 = arith.extui %sign3A_230 : i1 to i32
    %sign3A_232 = arith.subi %sign3A_228, %sign3A_231 : i32
    %ne3A_233 = arith.cmpi ne, %sign3A_225, %sign3A_232 : i32
    %rem3A_234 = arith.remsi %sub3A_216, %jit3A_217 : i32
    %ne3A_235 = arith.constant 0 : i32
    %ne3A_236 = arith.cmpi ne, %rem3A_234, %ne3A_235 : i32
    %and3A_237 = arith.andi %ne3A_233, %ne3A_236 : i1
    %sub3A_238 = arith.constant 1 : i32
    %sub3A_239 = arith.subi %div3A_218, %sub3A_238 : i32
    %select_n3A_240 = arith.select %and3A_237, %sub3A_239, %div3A_218 : i32
    %jit3A_241 = arith.constant 8 : i32
    %div3A_242 = arith.divsi %select_n3A_212, %jit3A_241 : i32
    %sign3A_243 = arith.constant 0 : i32
    %sign3A_244 = arith.cmpi sgt, %select_n3A_212, %sign3A_243 : i32
    %sign3A_245 = arith.extui %sign3A_244 : i1 to i32
    %sign3A_246 = arith.constant 0 : i32
    %sign3A_247 = arith.cmpi slt, %select_n3A_212, %sign3A_246 : i32
    %sign3A_248 = arith.extui %sign3A_247 : i1 to i32
    %sign3A_249 = arith.subi %sign3A_245, %sign3A_248 : i32
    %sign3A_250 = arith.constant 0 : i32
    %sign3A_251 = arith.cmpi sgt, %jit3A_241, %sign3A_250 : i32
    %sign3A_252 = arith.extui %sign3A_251 : i1 to i32
    %sign3A_253 = arith.constant 0 : i32
    %sign3A_254 = arith.cmpi slt, %jit3A_241, %sign3A_253 : i32
    %sign3A_255 = arith.extui %sign3A_254 : i1 to i32
    %sign3A_256 = arith.subi %sign3A_252, %sign3A_255 : i32
    %ne3A_257 = arith.cmpi ne, %sign3A_249, %sign3A_256 : i32
    %rem3A_258 = arith.remsi %select_n3A_212, %jit3A_241 : i32
    %ne3A_259 = arith.constant 0 : i32
    %ne3A_260 = arith.cmpi ne, %rem3A_258, %ne3A_259 : i32
    %and3A_261 = arith.andi %ne3A_257, %ne3A_260 : i1
    %sub3A_262 = arith.constant 1 : i32
    %sub3A_263 = arith.subi %div3A_242, %sub3A_262 : i32
    %select_n3A_264 = arith.select %and3A_261, %sub3A_263, %div3A_242 : i32
    %add3A_265 = arith.constant 8 : i32
    %add3A_266 = arith.addi %select_n3A_240, %add3A_265 : i32
    %sub3A_267 = arith.constant 1 : i32
    %sub3A_268 = arith.subi %add3A_266, %sub3A_267 : i32
    %jit3A_269 = arith.constant 8 : i32
    %div3A_270 = arith.divsi %sub3A_268, %jit3A_269 : i32
    %sign3A_271 = arith.constant 0 : i32
    %sign3A_272 = arith.cmpi sgt, %sub3A_268, %sign3A_271 : i32
    %sign3A_273 = arith.extui %sign3A_272 : i1 to i32
    %sign3A_274 = arith.constant 0 : i32
    %sign3A_275 = arith.cmpi slt, %sub3A_268, %sign3A_274 : i32
    %sign3A_276 = arith.extui %sign3A_275 : i1 to i32
    %sign3A_277 = arith.subi %sign3A_273, %sign3A_276 : i32
    %sign3A_278 = arith.constant 0 : i32
    %sign3A_279 = arith.cmpi sgt, %jit3A_269, %sign3A_278 : i32
    %sign3A_280 = arith.extui %sign3A_279 : i1 to i32
    %sign3A_281 = arith.constant 0 : i32
    %sign3A_282 = arith.cmpi slt, %jit3A_269, %sign3A_281 : i32
    %sign3A_283 = arith.extui %sign3A_282 : i1 to i32
    %sign3A_284 = arith.subi %sign3A_280, %sign3A_283 : i32
    %ne3A_285 = arith.cmpi ne, %sign3A_277, %sign3A_284 : i32
    %rem3A_286 = arith.remsi %sub3A_268, %jit3A_269 : i32
    %ne3A_287 = arith.constant 0 : i32
    %ne3A_288 = arith.cmpi ne, %rem3A_286, %ne3A_287 : i32
    %and3A_289 = arith.andi %ne3A_285, %ne3A_288 : i1
    %sub3A_290 = arith.constant 1 : i32
    %sub3A_291 = arith.subi %div3A_270, %sub3A_290 : i32
    %select_n3A_292 = arith.select %and3A_289, %sub3A_291, %div3A_270 : i32
    %broadcast_in_dim3A_293 = arith.constant -1.000000e+30 : f32
    %broadcast_in_dim3A_294 = vector.broadcast %broadcast_in_dim3A_293 : f32 to vector<16xf32>
    %while3A_295 = arith.subi %select_n3A_292, %select_n3A_264 : i32
    %while3A_296 = arith.addi %select_n3A_264, %while3A_295 : i32
    %while3A_297 = arith.constant 1 : i32
    %while3A_298 = arith.divsi %while3A_295, %while3A_297 : i32
    %while3A_299 = arith.muli %while3A_298, %while3A_297 : i32
    %while3A_300 = arith.addi %select_n3A_264, %while3A_299 : i32
    %while3A_301 = arith.constant 1 : i32
    %while3A_302 = scf.for %while3A_384 = %select_n3A_264 to %while3A_300 step %while3A_301 iter_args(%while3A_385 = %broadcast_in_dim3A_294) -> (vector<16xf32>)  : i32 {
      %mul3A_386 = arith.constant 8 : i32
      %mul3A_387 = arith.muli %while3A_384, %mul3A_386 : i32
      %add3A_388 = arith.constant 0 : i32
      %add3A_389 = arith.addi %mul3A_387, %add3A_388 : i32
      %mul3A_390 = arith.constant 16 : i32
      %mul3A_391 = arith.muli %add3A_389, %mul3A_390 : i32
      %add3A_392 = vector.broadcast %mul3A_391 : i32 to vector<16xi32>
      %add3A_393 = arith.addi %add3A_392, %iota3A : vector<16xi32>
      %get3A_394 = arith.index_cast %mul3A_391 : i32 to index
      %get3A_395 = tpu.vector_load %arg8[%get3A_394] {strides = array<i32>} : memref<32896xf32, #tpu.memory_space<vmem>>, vector<16xf32>,
      %ge3A = vector.broadcast %sub3A_187 : i32 to vector<16xi32>
      %ge3A_396 = arith.cmpi sge, %add3A_393, %ge3A : vector<16xi32>
      %lt3A = vector.broadcast %sub3A_188 : i32 to vector<16xi32>
      %lt3A_397 = arith.cmpi slt, %add3A_393, %lt3A : vector<16xi32>
      %and3A_398 = arith.andi %ge3A_396, %lt3A_397 : vector<16xi1>
      %max3A = arith.maximumf %while3A_385, %get3A_395 : vector<16xf32>
      %select_n3A_399 = arith.select %and3A_398, %max3A, %while3A_385 : vector<16xi1>, vector<16xf32>
      %mul3A_400 = arith.constant 8 : i32
      %mul3A_401 = arith.muli %while3A_384, %mul3A_400 : i32
      %add3A_402 = arith.constant 1 : i32
      %add3A_403 = arith.addi %mul3A_401, %add3A_402 : i32
      %mul3A_404 = arith.constant 16 : i32
      %mul3A_405 = arith.muli %add3A_403, %mul3A_404 : i32
      %add3A_406 = vector.broadcast %mul3A_405 : i32 to vector<16xi32>
      %add3A_407 = arith.addi %add3A_406, %iota3A : vector<16xi32>
      %get3A_408 = arith.index_cast %mul3A_405 : i32 to index
      %get3A_409 = tpu.vector_load %arg8[%get3A_408] {strides = array<i32>} : memref<32896xf32, #tpu.memory_space<vmem>>, vector<16xf32>,
      %ge3A_410 = vector.broadcast %sub3A_187 : i32 to vector<16xi32>
      %ge3A_411 = arith.cmpi sge, %add3A_407, %ge3A_410 : vector<16xi32>
      %lt3A_412 = vector.broadcast %sub3A_188 : i32 to vector<16xi32>
      %lt3A_413 = arith.cmpi slt, %add3A_407, %lt3A_412 : vector<16xi32>
      %and3A_414 = arith.andi %ge3A_411, %lt3A_413 : vector<16xi1>
      %max3A_415 = arith.maximumf %select_n3A_399, %get3A_409 : vector<16xf32>
      %select_n3A_416 = arith.select %and3A_414, %max3A_415, %select_n3A_399 : vector<16xi1>, vector<16xf32>
      %mul3A_417 = arith.constant 8 : i32
      %mul3A_418 = arith.muli %while3A_384, %mul3A_417 : i32
      %add3A_419 = arith.constant 2 : i32
      %add3A_420 = arith.addi %mul3A_418, %add3A_419 : i32
      %mul3A_421 = arith.constant 16 : i32
      %mul3A_422 = arith.muli %add3A_420, %mul3A_421 : i32
      %add3A_423 = vector.broadcast %mul3A_422 : i32 to vector<16xi32>
      %add3A_424 = arith.addi %add3A_423, %iota3A : vector<16xi32>
      %get3A_425 = arith.index_cast %mul3A_422 : i32 to index
      %get3A_426 = tpu.vector_load %arg8[%get3A_425] {strides = array<i32>} : memref<32896xf32, #tpu.memory_space<vmem>>, vector<16xf32>,
      %ge3A_427 = vector.broadcast %sub3A_187 : i32 to vector<16xi32>
      %ge3A_428 = arith.cmpi sge, %add3A_424, %ge3A_427 : vector<16xi32>
      %lt3A_429 = vector.broadcast %sub3A_188 : i32 to vector<16xi32>
      %lt3A_430 = arith.cmpi slt, %add3A_424, %lt3A_429 : vector<16xi32>
      %and3A_431 = arith.andi %ge3A_428, %lt3A_430 : vector<16xi1>
      %max3A_432 = arith.maximumf %select_n3A_416, %get3A_426 : vector<16xf32>
      %select_n3A_433 = arith.select %and3A_431, %max3A_432, %select_n3A_416 : vector<16xi1>, vector<16xf32>
      %mul3A_434 = arith.constant 8 : i32
      %mul3A_435 = arith.muli %while3A_384, %mul3A_434 : i32
      %add3A_436 = arith.constant 3 : i32
      %add3A_437 = arith.addi %mul3A_435, %add3A_436 : i32
      %mul3A_438 = arith.constant 16 : i32
      %mul3A_439 = arith.muli %add3A_437, %mul3A_438 : i32
      %add3A_440 = vector.broadcast %mul3A_439 : i32 to vector<16xi32>
      %add3A_441 = arith.addi %add3A_440, %iota3A : vector<16xi32>
      %get3A_442 = arith.index_cast %mul3A_439 : i32 to index
      %get3A_443 = tpu.vector_load %arg8[%get3A_442] {strides = array<i32>} : memref<32896xf32, #tpu.memory_space<vmem>>, vector<16xf32>,
      %ge3A_444 = vector.broadcast %sub3A_187 : i32 to vector<16xi32>
      %ge3A_445 = arith.cmpi sge, %add3A_441, %ge3A_444 : vector<16xi32>
      %lt3A_446 = vector.broadcast %sub3A_188 : i32 to vector<16xi32>
      %lt3A_447 = arith.cmpi slt, %add3A_441, %lt3A_446 : vector<16xi32>
      %and3A_448 = arith.andi %ge3A_445, %lt3A_447 : vector<16xi1>
      %max3A_449 = arith.maximumf %select_n3A_433, %get3A_443 : vector<16xf32>
      %select_n3A_450 = arith.select %and3A_448, %max3A_449, %select_n3A_433 : vector<16xi1>, vector<16xf32>
      %mul3A_451 = arith.constant 8 : i32
      %mul3A_452 = arith.muli %while3A_384, %mul3A_451 : i32
      %add3A_453 = arith.constant 4 : i32
      %add3A_454 = arith.addi %mul3A_452, %add3A_453 : i32
      %mul3A_455 = arith.constant 16 : i32
      %mul3A_456 = arith.muli %add3A_454, %mul3A_455 : i32
      %add3A_457 = vector.broadcast %mul3A_456 : i32 to vector<16xi32>
      %add3A_458 = arith.addi %add3A_457, %iota3A : vector<16xi32>
      %get3A_459 = arith.index_cast %mul3A_456 : i32 to index
      %get3A_460 = tpu.vector_load %arg8[%get3A_459] {strides = array<i32>} : memref<32896xf32, #tpu.memory_space<vmem>>, vector<16xf32>,
      %ge3A_461 = vector.broadcast %sub3A_187 : i32 to vector<16xi32>
      %ge3A_462 = arith.cmpi sge, %add3A_458, %ge3A_461 : vector<16xi32>
      %lt3A_463 = vector.broadcast %sub3A_188 : i32 to vector<16xi32>
      %lt3A_464 = arith.cmpi slt, %add3A_458, %lt3A_463 : vector<16xi32>
      %and3A_465 = arith.andi %ge3A_462, %lt3A_464 : vector<16xi1>
      %max3A_466 = arith.maximumf %select_n3A_450, %get3A_460 : vector<16xf32>
      %select_n3A_467 = arith.select %and3A_465, %max3A_466, %select_n3A_450 : vector<16xi1>, vector<16xf32>
      %mul3A_468 = arith.constant 8 : i32
      %mul3A_469 = arith.muli %while3A_384, %mul3A_468 : i32
      %add3A_470 = arith.constant 5 : i32
      %add3A_471 = arith.addi %mul3A_469, %add3A_470 : i32
      %mul3A_472 = arith.constant 16 : i32
      %mul3A_473 = arith.muli %add3A_471, %mul3A_472 : i32
      %add3A_474 = vector.broadcast %mul3A_473 : i32 to vector<16xi32>
      %add3A_475 = arith.addi %add3A_474, %iota3A : vector<16xi32>
      %get3A_476 = arith.index_cast %mul3A_473 : i32 to index
      %get3A_477 = tpu.vector_load %arg8[%get3A_476] {strides = array<i32>} : memref<32896xf32, #tpu.memory_space<vmem>>, vector<16xf32>,
      %ge3A_478 = vector.broadcast %sub3A_187 : i32 to vector<16xi32>
      %ge3A_479 = arith.cmpi sge, %add3A_475, %ge3A_478 : vector<16xi32>
      %lt3A_480 = vector.broadcast %sub3A_188 : i32 to vector<16xi32>
      %lt3A_481 = arith.cmpi slt, %add3A_475, %lt3A_480 : vector<16xi32>
      %and3A_482 = arith.andi %ge3A_479, %lt3A_481 : vector<16xi1>
      %max3A_483 = arith.maximumf %select_n3A_467, %get3A_477 : vector<16xf32>
      %select_n3A_484 = arith.select %and3A_482, %max3A_483, %select_n3A_467 : vector<16xi1>, vector<16xf32>
      %mul3A_485 = arith.constant 8 : i32
      %mul3A_486 = arith.muli %while3A_384, %mul3A_485 : i32
      %add3A_487 = arith.constant 6 : i32
      %add3A_488 = arith.addi %mul3A_486, %add3A_487 : i32
      %mul3A_489 = arith.constant 16 : i32
      %mul3A_490 = arith.muli %add3A_488, %mul3A_489 : i32
      %add3A_491 = vector.broadcast %mul3A_490 : i32 to vector<16xi32>
      %add3A_492 = arith.addi %add3A_491, %iota3A : vector<16xi32>
      %get3A_493 = arith.index_cast %mul3A_490 : i32 to index
      %get3A_494 = tpu.vector_load %arg8[%get3A_493] {strides = array<i32>} : memref<32896xf32, #tpu.memory_space<vmem>>, vector<16xf32>,
      %ge3A_495 = vector.broadcast %sub3A_187 : i32 to vector<16xi32>
      %ge3A_496 = arith.cmpi sge, %add3A_492, %ge3A_495 : vector<16xi32>
      %lt3A_497 = vector.broadcast %sub3A_188 : i32 to vector<16xi32>
      %lt3A_498 = arith.cmpi slt, %add3A_492, %lt3A_497 : vector<16xi32>
      %and3A_499 = arith.andi %ge3A_496, %lt3A_498 : vector<16xi1>
      %max3A_500 = arith.maximumf %select_n3A_484, %get3A_494 : vector<16xf32>
      %select_n3A_501 = arith.select %and3A_499, %max3A_500, %select_n3A_484 : vector<16xi1>, vector<16xf32>
      %mul3A_502 = arith.constant 8 : i32
      %mul3A_503 = arith.muli %while3A_384, %mul3A_502 : i32
      %add3A_504 = arith.constant 7 : i32
      %add3A_505 = arith.addi %mul3A_503, %add3A_504 : i32
      %mul3A_506 = arith.constant 16 : i32
      %mul3A_507 = arith.muli %add3A_505, %mul3A_506 : i32
      %add3A_508 = vector.broadcast %mul3A_507 : i32 to vector<16xi32>
      %add3A_509 = arith.addi %add3A_508, %iota3A : vector<16xi32>
      %get3A_510 = arith.index_cast %mul3A_507 : i32 to index
      %get3A_511 = tpu.vector_load %arg8[%get3A_510] {strides = array<i32>} : memref<32896xf32, #tpu.memory_space<vmem>>, vector<16xf32>,
      %ge3A_512 = vector.broadcast %sub3A_187 : i32 to vector<16xi32>
      %ge3A_513 = arith.cmpi sge, %add3A_509, %ge3A_512 : vector<16xi32>
      %lt3A_514 = vector.broadcast %sub3A_188 : i32 to vector<16xi32>
      %lt3A_515 = arith.cmpi slt, %add3A_509, %lt3A_514 : vector<16xi32>
      %and3A_516 = arith.andi %ge3A_513, %lt3A_515 : vector<16xi1>
      %max3A_517 = arith.maximumf %select_n3A_501, %get3A_511 : vector<16xf32>
      %select_n3A_518 = arith.select %and3A_516, %max3A_517, %select_n3A_501 : vector<16xi1>, vector<16xf32>
      scf.yield %select_n3A_518 : vector<16xf32>
    }
    %while3A_303 = arith.constant 1 : i32
    %while3A_304 = scf.for %while3A_384 = %while3A_300 to %while3A_296 step %while3A_303 iter_args(%while3A_385 = %while3A_302) -> (vector<16xf32>)  : i32 {
      %mul3A_386 = arith.constant 8 : i32
      %mul3A_387 = arith.muli %while3A_384, %mul3A_386 : i32
      %add3A_388 = arith.constant 0 : i32
      %add3A_389 = arith.addi %mul3A_387, %add3A_388 : i32
      %mul3A_390 = arith.constant 16 : i32
      %mul3A_391 = arith.muli %add3A_389, %mul3A_390 : i32
      %add3A_392 = vector.broadcast %mul3A_391 : i32 to vector<16xi32>
      %add3A_393 = arith.addi %add3A_392, %iota3A : vector<16xi32>
      %get3A_394 = arith.index_cast %mul3A_391 : i32 to index
      %get3A_395 = tpu.vector_load %arg8[%get3A_394] {strides = array<i32>} : memref<32896xf32, #tpu.memory_space<vmem>>, vector<16xf32>,
      %ge3A = vector.broadcast %sub3A_187 : i32 to vector<16xi32>
      %ge3A_396 = arith.cmpi sge, %add3A_393, %ge3A : vector<16xi32>
      %lt3A = vector.broadcast %sub3A_188 : i32 to vector<16xi32>
      %lt3A_397 = arith.cmpi slt, %add3A_393, %lt3A : vector<16xi32>
      %and3A_398 = arith.andi %ge3A_396, %lt3A_397 : vector<16xi1>
      %max3A = arith.maximumf %while3A_385, %get3A_395 : vector<16xf32>
      %select_n3A_399 = arith.select %and3A_398, %max3A, %while3A_385 : vector<16xi1>, vector<16xf32>
      %mul3A_400 = arith.constant 8 : i32
      %mul3A_401 = arith.muli %while3A_384, %mul3A_400 : i32
      %add3A_402 = arith.constant 1 : i32
      %add3A_403 = arith.addi %mul3A_401, %add3A_402 : i32
      %mul3A_404 = arith.constant 16 : i32
      %mul3A_405 = arith.muli %add3A_403, %mul3A_404 : i32
      %add3A_406 = vector.broadcast %mul3A_405 : i32 to vector<16xi32>
      %add3A_407 = arith.addi %add3A_406, %iota3A : vector<16xi32>
      %get3A_408 = arith.index_cast %mul3A_405 : i32 to index
      %get3A_409 = tpu.vector_load %arg8[%get3A_408] {strides = array<i32>} : memref<32896xf32, #tpu.memory_space<vmem>>, vector<16xf32>,
      %ge3A_410 = vector.broadcast %sub3A_187 : i32 to vector<16xi32>
      %ge3A_411 = arith.cmpi sge, %add3A_407, %ge3A_410 : vector<16xi32>
      %lt3A_412 = vector.broadcast %sub3A_188 : i32 to vector<16xi32>
      %lt3A_413 = arith.cmpi slt, %add3A_407, %lt3A_412 : vector<16xi32>
      %and3A_414 = arith.andi %ge3A_411, %lt3A_413 : vector<16xi1>
      %max3A_415 = arith.maximumf %select_n3A_399, %get3A_409 : vector<16xf32>
      %select_n3A_416 = arith.select %and3A_414, %max3A_415, %select_n3A_399 : vector<16xi1>, vector<16xf32>
      %mul3A_417 = arith.constant 8 : i32
      %mul3A_418 = arith.muli %while3A_384, %mul3A_417 : i32
      %add3A_419 = arith.constant 2 : i32
      %add3A_420 = arith.addi %mul3A_418, %add3A_419 : i32
      %mul3A_421 = arith.constant 16 : i32
      %mul3A_422 = arith.muli %add3A_420, %mul3A_421 : i32
      %add3A_423 = vector.broadcast %mul3A_422 : i32 to vector<16xi32>
      %add3A_424 = arith.addi %add3A_423, %iota3A : vector<16xi32>
      %get3A_425 = arith.index_cast %mul3A_422 : i32 to index
      %get3A_426 = tpu.vector_load %arg8[%get3A_425] {strides = array<i32>} : memref<32896xf32, #tpu.memory_space<vmem>>, vector<16xf32>,
      %ge3A_427 = vector.broadcast %sub3A_187 : i32 to vector<16xi32>
      %ge3A_428 = arith.cmpi sge, %add3A_424, %ge3A_427 : vector<16xi32>
      %lt3A_429 = vector.broadcast %sub3A_188 : i32 to vector<16xi32>
      %lt3A_430 = arith.cmpi slt, %add3A_424, %lt3A_429 : vector<16xi32>
      %and3A_431 = arith.andi %ge3A_428, %lt3A_430 : vector<16xi1>
      %max3A_432 = arith.maximumf %select_n3A_416, %get3A_426 : vector<16xf32>
      %select_n3A_433 = arith.select %and3A_431, %max3A_432, %select_n3A_416 : vector<16xi1>, vector<16xf32>
      %mul3A_434 = arith.constant 8 : i32
      %mul3A_435 = arith.muli %while3A_384, %mul3A_434 : i32
      %add3A_436 = arith.constant 3 : i32
      %add3A_437 = arith.addi %mul3A_435, %add3A_436 : i32
      %mul3A_438 = arith.constant 16 : i32
      %mul3A_439 = arith.muli %add3A_437, %mul3A_438 : i32
      %add3A_440 = vector.broadcast %mul3A_439 : i32 to vector<16xi32>
      %add3A_441 = arith.addi %add3A_440, %iota3A : vector<16xi32>
      %get3A_442 = arith.index_cast %mul3A_439 : i32 to index
      %get3A_443 = tpu.vector_load %arg8[%get3A_442] {strides = array<i32>} : memref<32896xf32, #tpu.memory_space<vmem>>, vector<16xf32>,
      %ge3A_444 = vector.broadcast %sub3A_187 : i32 to vector<16xi32>
      %ge3A_445 = arith.cmpi sge, %add3A_441, %ge3A_444 : vector<16xi32>
      %lt3A_446 = vector.broadcast %sub3A_188 : i32 to vector<16xi32>
      %lt3A_447 = arith.cmpi slt, %add3A_441, %lt3A_446 : vector<16xi32>
      %and3A_448 = arith.andi %ge3A_445, %lt3A_447 : vector<16xi1>
      %max3A_449 = arith.maximumf %select_n3A_433, %get3A_443 : vector<16xf32>
      %select_n3A_450 = arith.select %and3A_448, %max3A_449, %select_n3A_433 : vector<16xi1>, vector<16xf32>
      %mul3A_451 = arith.constant 8 : i32
      %mul3A_452 = arith.muli %while3A_384, %mul3A_451 : i32
      %add3A_453 = arith.constant 4 : i32
      %add3A_454 = arith.addi %mul3A_452, %add3A_453 : i32
      %mul3A_455 = arith.constant 16 : i32
      %mul3A_456 = arith.muli %add3A_454, %mul3A_455 : i32
      %add3A_457 = vector.broadcast %mul3A_456 : i32 to vector<16xi32>
      %add3A_458 = arith.addi %add3A_457, %iota3A : vector<16xi32>
      %get3A_459 = arith.index_cast %mul3A_456 : i32 to index
      %get3A_460 = tpu.vector_load %arg8[%get3A_459] {strides = array<i32>} : memref<32896xf32, #tpu.memory_space<vmem>>, vector<16xf32>,
      %ge3A_461 = vector.broadcast %sub3A_187 : i32 to vector<16xi32>
      %ge3A_462 = arith.cmpi sge, %add3A_458, %ge3A_461 : vector<16xi32>
      %lt3A_463 = vector.broadcast %sub3A_188 : i32 to vector<16xi32>
      %lt3A_464 = arith.cmpi slt, %add3A_458, %lt3A_463 : vector<16xi32>
      %and3A_465 = arith.andi %ge3A_462, %lt3A_464 : vector<16xi1>
      %max3A_466 = arith.maximumf %select_n3A_450, %get3A_460 : vector<16xf32>
      %select_n3A_467 = arith.select %and3A_465, %max3A_466, %select_n3A_450 : vector<16xi1>, vector<16xf32>
      %mul3A_468 = arith.constant 8 : i32
      %mul3A_469 = arith.muli %while3A_384, %mul3A_468 : i32
      %add3A_470 = arith.constant 5 : i32
      %add3A_471 = arith.addi %mul3A_469, %add3A_470 : i32
      %mul3A_472 = arith.constant 16 : i32
      %mul3A_473 = arith.muli %add3A_471, %mul3A_472 : i32
      %add3A_474 = vector.broadcast %mul3A_473 : i32 to vector<16xi32>
      %add3A_475 = arith.addi %add3A_474, %iota3A : vector<16xi32>
      %get3A_476 = arith.index_cast %mul3A_473 : i32 to index
      %get3A_477 = tpu.vector_load %arg8[%get3A_476] {strides = array<i32>} : memref<32896xf32, #tpu.memory_space<vmem>>, vector<16xf32>,
      %ge3A_478 = vector.broadcast %sub3A_187 : i32 to vector<16xi32>
      %ge3A_479 = arith.cmpi sge, %add3A_475, %ge3A_478 : vector<16xi32>
      %lt3A_480 = vector.broadcast %sub3A_188 : i32 to vector<16xi32>
      %lt3A_481 = arith.cmpi slt, %add3A_475, %lt3A_480 : vector<16xi32>
      %and3A_482 = arith.andi %ge3A_479, %lt3A_481 : vector<16xi1>
      %max3A_483 = arith.maximumf %select_n3A_467, %get3A_477 : vector<16xf32>
      %select_n3A_484 = arith.select %and3A_482, %max3A_483, %select_n3A_467 : vector<16xi1>, vector<16xf32>
      %mul3A_485 = arith.constant 8 : i32
      %mul3A_486 = arith.muli %while3A_384, %mul3A_485 : i32
      %add3A_487 = arith.constant 6 : i32
      %add3A_488 = arith.addi %mul3A_486, %add3A_487 : i32
      %mul3A_489 = arith.constant 16 : i32
      %mul3A_490 = arith.muli %add3A_488, %mul3A_489 : i32
      %add3A_491 = vector.broadcast %mul3A_490 : i32 to vector<16xi32>
      %add3A_492 = arith.addi %add3A_491, %iota3A : vector<16xi32>
      %get3A_493 = arith.index_cast %mul3A_490 : i32 to index
      %get3A_494 = tpu.vector_load %arg8[%get3A_493] {strides = array<i32>} : memref<32896xf32, #tpu.memory_space<vmem>>, vector<16xf32>,
      %ge3A_495 = vector.broadcast %sub3A_187 : i32 to vector<16xi32>
      %ge3A_496 = arith.cmpi sge, %add3A_492, %ge3A_495 : vector<16xi32>
      %lt3A_497 = vector.broadcast %sub3A_188 : i32 to vector<16xi32>
      %lt3A_498 = arith.cmpi slt, %add3A_492, %lt3A_497 : vector<16xi32>
      %and3A_499 = arith.andi %ge3A_496, %lt3A_498 : vector<16xi1>
      %max3A_500 = arith.maximumf %select_n3A_484, %get3A_494 : vector<16xf32>
      %select_n3A_501 = arith.select %and3A_499, %max3A_500, %select_n3A_484 : vector<16xi1>, vector<16xf32>
      %mul3A_502 = arith.constant 8 : i32
      %mul3A_503 = arith.muli %while3A_384, %mul3A_502 : i32
      %add3A_504 = arith.constant 7 : i32
      %add3A_505 = arith.addi %mul3A_503, %add3A_504 : i32
      %mul3A_506 = arith.constant 16 : i32
      %mul3A_507 = arith.muli %add3A_505, %mul3A_506 : i32
      %add3A_508 = vector.broadcast %mul3A_507 : i32 to vector<16xi32>
      %add3A_509 = arith.addi %add3A_508, %iota3A : vector<16xi32>
      %get3A_510 = arith.index_cast %mul3A_507 : i32 to index
      %get3A_511 = tpu.vector_load %arg8[%get3A_510] {strides = array<i32>} : memref<32896xf32, #tpu.memory_space<vmem>>, vector<16xf32>,
      %ge3A_512 = vector.broadcast %sub3A_187 : i32 to vector<16xi32>
      %ge3A_513 = arith.cmpi sge, %add3A_509, %ge3A_512 : vector<16xi32>
      %lt3A_514 = vector.broadcast %sub3A_188 : i32 to vector<16xi32>
      %lt3A_515 = arith.cmpi slt, %add3A_509, %lt3A_514 : vector<16xi32>
      %and3A_516 = arith.andi %ge3A_513, %lt3A_515 : vector<16xi1>
      %max3A_517 = arith.maximumf %select_n3A_501, %get3A_511 : vector<16xf32>
      %select_n3A_518 = arith.select %and3A_516, %max3A_517, %select_n3A_501 : vector<16xi1>, vector<16xf32>
      scf.yield %select_n3A_518 : vector<16xf32>
    }
    %broadcast_in_dim3A_305 = arith.constant true
    %broadcast_in_dim3A_306 = vector.broadcast %broadcast_in_dim3A_305 : i1 to vector<16xi1>
    %masked_cummax3A_307 = tpu.scan <max>, %while3A_304 masked %broadcast_in_dim3A_306 : vector<16xf32>, vector<16xi1> -> vector<16xf32>
    %slice3A_308 = vector.extract_strided_slice %masked_cummax3A_307 {offsets = [15], sizes = [1], strides = [1]} : vector<16xf32> to vector<1xf32>
    %squeeze3A_309 = vector.extract %slice3A_308[0] : f32 from vector<1xf32>
    %sub3A_310 = arith.constant 1.000000e+00 : f32
    %sub3A_311 = arith.subf %squeeze3A_309, %sub3A_310 : f32
    %while3A_312 = arith.constant 0 : i32
    %while3A_313 = arith.subi %select_n3A_292, %select_n3A_264 : i32
    %while3A_314 = arith.addi %select_n3A_264, %while3A_313 : i32
    %while3A_315 = arith.constant 1 : i32
    %while3A_316 = arith.divsi %while3A_313, %while3A_315 : i32
    %while3A_317 = arith.muli %while3A_316, %while3A_315 : i32
    %while3A_318 = arith.addi %select_n3A_264, %while3A_317 : i32
    %while3A_319 = arith.constant 1 : i32
    %while3A_320 = scf.for %while3A_384 = %select_n3A_264 to %while3A_318 step %while3A_319 iter_args(%while3A_385 = %while3A_312) -> (i32)  : i32 {
      %mul3A_386 = arith.constant 8 : i32
      %mul3A_387 = arith.muli %while3A_384, %mul3A_386 : i32
      %add3A_388 = arith.constant 0 : i32
      %add3A_389 = arith.addi %mul3A_387, %add3A_388 : i32
      %mul3A_390 = arith.constant 16 : i32
      %mul3A_391 = arith.muli %add3A_389, %mul3A_390 : i32
      %add3A_392 = vector.broadcast %mul3A_391 : i32 to vector<16xi32>
      %add3A_393 = arith.addi %add3A_392, %iota3A : vector<16xi32>
      %get3A_394 = arith.index_cast %mul3A_391 : i32 to index
      %get3A_395 = tpu.vector_load %arg8[%get3A_394] {strides = array<i32>} : memref<32896xf32, #tpu.memory_space<vmem>>, vector<16xf32>,
      %ge3A = vector.broadcast %sub3A_187 : i32 to vector<16xi32>
      %ge3A_396 = arith.cmpi sge, %add3A_393, %ge3A : vector<16xi32>
      %lt3A = vector.broadcast %sub3A_188 : i32 to vector<16xi32>
      %lt3A_397 = arith.cmpi slt, %add3A_393, %lt3A : vector<16xi32>
      %and3A_398 = arith.andi %ge3A_396, %lt3A_397 : vector<16xi1>
      %gt3A = vector.broadcast %sub3A_311 : f32 to vector<16xf32>
      %gt3A_399 = arith.cmpf ogt, %get3A_395, %gt3A : vector<16xf32>
      %and3A_400 = arith.andi %and3A_398, %gt3A_399 : vector<16xi1>
      %sub3A_401 = vector.broadcast %squeeze3A_309 : f32 to vector<16xf32>
      %sub3A_402 = arith.subf %get3A_395, %sub3A_401 : vector<16xf32>
      %swap3A_403 = arith.index_cast %while3A_385 : i32 to index
      %swap3A_404 = tpu.vector_load %arg9[%swap3A_403] masked %and3A_400 {strides = array<i32>} : memref<32784xf32, #tpu.memory_space<vmem>>, vector<16xf32>, vector<16xi1>
      tpu.vector_store %arg9[%swap3A_403], %sub3A_402 masked %and3A_400 {strides = array<i32>} : memref<32784xf32, #tpu.memory_space<vmem>>, vector<16xf32>, vector<16xi1>
      %all_reduce_population_count3A = tpu.all_reduce %and3A_400 {dim = 0 : i64, kind = #tpu.reduction_kind<sum>} : vector<16xi1> -> vector<16xi32>
      %slice3A_405 = vector.extract_strided_slice %all_reduce_population_count3A {offsets = [0], sizes = [1], strides = [1]} : vector<16xi32> to vector<1xi32>
      %squeeze3A_406 = vector.extract %slice3A_405[0] : i32 from vector<1xi32>
      %add3A_407 = arith.addi %while3A_385, %squeeze3A_406 : i32
      %mul3A_408 = arith.constant 8 : i32
      %mul3A_409 = arith.muli %while3A_384, %mul3A_408 : i32
      %add3A_410 = arith.constant 1 : i32
      %add3A_411 = arith.addi %mul3A_409, %add3A_410 : i32
      %mul3A_412 = arith.constant 16 : i32
      %mul3A_413 = arith.muli %add3A_411, %mul3A_412 : i32
      %add3A_414 = vector.broadcast %mul3A_413 : i32 to vector<16xi32>
      %add3A_415 = arith.addi %add3A_414, %iota3A : vector<16xi32>
      %get3A_416 = arith.index_cast %mul3A_413 : i32 to index
      %get3A_417 = tpu.vector_load %arg8[%get3A_416] {strides = array<i32>} : memref<32896xf32, #tpu.memory_space<vmem>>, vector<16xf32>,
      %ge3A_418 = vector.broadcast %sub3A_187 : i32 to vector<16xi32>
      %ge3A_419 = arith.cmpi sge, %add3A_415, %ge3A_418 : vector<16xi32>
      %lt3A_420 = vector.broadcast %sub3A_188 : i32 to vector<16xi32>
      %lt3A_421 = arith.cmpi slt, %add3A_415, %lt3A_420 : vector<16xi32>
      %and3A_422 = arith.andi %ge3A_419, %lt3A_421 : vector<16xi1>
      %gt3A_423 = vector.broadcast %sub3A_311 : f32 to vector<16xf32>
      %gt3A_424 = arith.cmpf ogt, %get3A_417, %gt3A_423 : vector<16xf32>
      %and3A_425 = arith.andi %and3A_422, %gt3A_424 : vector<16xi1>
      %sub3A_426 = vector.broadcast %squeeze3A_309 : f32 to vector<16xf32>
      %sub3A_427 = arith.subf %get3A_417, %sub3A_426 : vector<16xf32>
      %swap3A_428 = arith.index_cast %add3A_407 : i32 to index
      %swap3A_429 = tpu.vector_load %arg9[%swap3A_428] masked %and3A_425 {strides = array<i32>} : memref<32784xf32, #tpu.memory_space<vmem>>, vector<16xf32>, vector<16xi1>
      tpu.vector_store %arg9[%swap3A_428], %sub3A_427 masked %and3A_425 {strides = array<i32>} : memref<32784xf32, #tpu.memory_space<vmem>>, vector<16xf32>, vector<16xi1>
      %all_reduce_population_count3A_430 = tpu.all_reduce %and3A_425 {dim = 0 : i64, kind = #tpu.reduction_kind<sum>} : vector<16xi1> -> vector<16xi32>
      %slice3A_431 = vector.extract_strided_slice %all_reduce_population_count3A_430 {offsets = [0], sizes = [1], strides = [1]} : vector<16xi32> to vector<1xi32>
      %squeeze3A_432 = vector.extract %slice3A_431[0] : i32 from vector<1xi32>
      %add3A_433 = arith.addi %add3A_407, %squeeze3A_432 : i32
      %mul3A_434 = arith.constant 8 : i32
      %mul3A_435 = arith.muli %while3A_384, %mul3A_434 : i32
      %add3A_436 = arith.constant 2 : i32
      %add3A_437 = arith.addi %mul3A_435, %add3A_436 : i32
      %mul3A_438 = arith.constant 16 : i32
      %mul3A_439 = arith.muli %add3A_437, %mul3A_438 : i32
      %add3A_440 = vector.broadcast %mul3A_439 : i32 to vector<16xi32>
      %add3A_441 = arith.addi %add3A_440, %iota3A : vector<16xi32>
      %get3A_442 = arith.index_cast %mul3A_439 : i32 to index
      %get3A_443 = tpu.vector_load %arg8[%get3A_442] {strides = array<i32>} : memref<32896xf32, #tpu.memory_space<vmem>>, vector<16xf32>,
      %ge3A_444 = vector.broadcast %sub3A_187 : i32 to vector<16xi32>
      %ge3A_445 = arith.cmpi sge, %add3A_441, %ge3A_444 : vector<16xi32>
      %lt3A_446 = vector.broadcast %sub3A_188 : i32 to vector<16xi32>
      %lt3A_447 = arith.cmpi slt, %add3A_441, %lt3A_446 : vector<16xi32>
      %and3A_448 = arith.andi %ge3A_445, %lt3A_447 : vector<16xi1>
      %gt3A_449 = vector.broadcast %sub3A_311 : f32 to vector<16xf32>
      %gt3A_450 = arith.cmpf ogt, %get3A_443, %gt3A_449 : vector<16xf32>
      %and3A_451 = arith.andi %and3A_448, %gt3A_450 : vector<16xi1>
      %sub3A_452 = vector.broadcast %squeeze3A_309 : f32 to vector<16xf32>
      %sub3A_453 = arith.subf %get3A_443, %sub3A_452 : vector<16xf32>
      %swap3A_454 = arith.index_cast %add3A_433 : i32 to index
      %swap3A_455 = tpu.vector_load %arg9[%swap3A_454] masked %and3A_451 {strides = array<i32>} : memref<32784xf32, #tpu.memory_space<vmem>>, vector<16xf32>, vector<16xi1>
      tpu.vector_store %arg9[%swap3A_454], %sub3A_453 masked %and3A_451 {strides = array<i32>} : memref<32784xf32, #tpu.memory_space<vmem>>, vector<16xf32>, vector<16xi1>
      %all_reduce_population_count3A_456 = tpu.all_reduce %and3A_451 {dim = 0 : i64, kind = #tpu.reduction_kind<sum>} : vector<16xi1> -> vector<16xi32>
      %slice3A_457 = vector.extract_strided_slice %all_reduce_population_count3A_456 {offsets = [0], sizes = [1], strides = [1]} : vector<16xi32> to vector<1xi32>
      %squeeze3A_458 = vector.extract %slice3A_457[0] : i32 from vector<1xi32>
      %add3A_459 = arith.addi %add3A_433, %squeeze3A_458 : i32
      %mul3A_460 = arith.constant 8 : i32
      %mul3A_461 = arith.muli %while3A_384, %mul3A_460 : i32
      %add3A_462 = arith.constant 3 : i32
      %add3A_463 = arith.addi %mul3A_461, %add3A_462 : i32
      %mul3A_464 = arith.constant 16 : i32
      %mul3A_465 = arith.muli %add3A_463, %mul3A_464 : i32
      %add3A_466 = vector.broadcast %mul3A_465 : i32 to vector<16xi32>
      %add3A_467 = arith.addi %add3A_466, %iota3A : vector<16xi32>
      %get3A_468 = arith.index_cast %mul3A_465 : i32 to index
      %get3A_469 = tpu.vector_load %arg8[%get3A_468] {strides = array<i32>} : memref<32896xf32, #tpu.memory_space<vmem>>, vector<16xf32>,
      %ge3A_470 = vector.broadcast %sub3A_187 : i32 to vector<16xi32>
      %ge3A_471 = arith.cmpi sge, %add3A_467, %ge3A_470 : vector<16xi32>
      %lt3A_472 = vector.broadcast %sub3A_188 : i32 to vector<16xi32>
      %lt3A_473 = arith.cmpi slt, %add3A_467, %lt3A_472 : vector<16xi32>
      %and3A_474 = arith.andi %ge3A_471, %lt3A_473 : vector<16xi1>
      %gt3A_475 = vector.broadcast %sub3A_311 : f32 to vector<16xf32>
      %gt3A_476 = arith.cmpf ogt, %get3A_469, %gt3A_475 : vector<16xf32>
      %and3A_477 = arith.andi %and3A_474, %gt3A_476 : vector<16xi1>
      %sub3A_478 = vector.broadcast %squeeze3A_309 : f32 to vector<16xf32>
      %sub3A_479 = arith.subf %get3A_469, %sub3A_478 : vector<16xf32>
      %swap3A_480 = arith.index_cast %add3A_459 : i32 to index
      %swap3A_481 = tpu.vector_load %arg9[%swap3A_480] masked %and3A_477 {strides = array<i32>} : memref<32784xf32, #tpu.memory_space<vmem>>, vector<16xf32>, vector<16xi1>
      tpu.vector_store %arg9[%swap3A_480], %sub3A_479 masked %and3A_477 {strides = array<i32>} : memref<32784xf32, #tpu.memory_space<vmem>>, vector<16xf32>, vector<16xi1>
      %all_reduce_population_count3A_482 = tpu.all_reduce %and3A_477 {dim = 0 : i64, kind = #tpu.reduction_kind<sum>} : vector<16xi1> -> vector<16xi32>
      %slice3A_483 = vector.extract_strided_slice %all_reduce_population_count3A_482 {offsets = [0], sizes = [1], strides = [1]} : vector<16xi32> to vector<1xi32>
      %squeeze3A_484 = vector.extract %slice3A_483[0] : i32 from vector<1xi32>
      %add3A_485 = arith.addi %add3A_459, %squeeze3A_484 : i32
      %mul3A_486 = arith.constant 8 : i32
      %mul3A_487 = arith.muli %while3A_384, %mul3A_486 : i32
      %add3A_488 = arith.constant 4 : i32
      %add3A_489 = arith.addi %mul3A_487, %add3A_488 : i32
      %mul3A_490 = arith.constant 16 : i32
      %mul3A_491 = arith.muli %add3A_489, %mul3A_490 : i32
      %add3A_492 = vector.broadcast %mul3A_491 : i32 to vector<16xi32>
      %add3A_493 = arith.addi %add3A_492, %iota3A : vector<16xi32>
      %get3A_494 = arith.index_cast %mul3A_491 : i32 to index
      %get3A_495 = tpu.vector_load %arg8[%get3A_494] {strides = array<i32>} : memref<32896xf32, #tpu.memory_space<vmem>>, vector<16xf32>,
      %ge3A_496 = vector.broadcast %sub3A_187 : i32 to vector<16xi32>
      %ge3A_497 = arith.cmpi sge, %add3A_493, %ge3A_496 : vector<16xi32>
      %lt3A_498 = vector.broadcast %sub3A_188 : i32 to vector<16xi32>
      %lt3A_499 = arith.cmpi slt, %add3A_493, %lt3A_498 : vector<16xi32>
      %and3A_500 = arith.andi %ge3A_497, %lt3A_499 : vector<16xi1>
      %gt3A_501 = vector.broadcast %sub3A_311 : f32 to vector<16xf32>
      %gt3A_502 = arith.cmpf ogt, %get3A_495, %gt3A_501 : vector<16xf32>
      %and3A_503 = arith.andi %and3A_500, %gt3A_502 : vector<16xi1>
      %sub3A_504 = vector.broadcast %squeeze3A_309 : f32 to vector<16xf32>
      %sub3A_505 = arith.subf %get3A_495, %sub3A_504 : vector<16xf32>
      %swap3A_506 = arith.index_cast %add3A_485 : i32 to index
      %swap3A_507 = tpu.vector_load %arg9[%swap3A_506] masked %and3A_503 {strides = array<i32>} : memref<32784xf32, #tpu.memory_space<vmem>>, vector<16xf32>, vector<16xi1>
      tpu.vector_store %arg9[%swap3A_506], %sub3A_505 masked %and3A_503 {strides = array<i32>} : memref<32784xf32, #tpu.memory_space<vmem>>, vector<16xf32>, vector<16xi1>
      %all_reduce_population_count3A_508 = tpu.all_reduce %and3A_503 {dim = 0 : i64, kind = #tpu.reduction_kind<sum>} : vector<16xi1> -> vector<16xi32>
      %slice3A_509 = vector.extract_strided_slice %all_reduce_population_count3A_508 {offsets = [0], sizes = [1], strides = [1]} : vector<16xi32> to vector<1xi32>
      %squeeze3A_510 = vector.extract %slice3A_509[0] : i32 from vector<1xi32>
      %add3A_511 = arith.addi %add3A_485, %squeeze3A_510 : i32
      %mul3A_512 = arith.constant 8 : i32
      %mul3A_513 = arith.muli %while3A_384, %mul3A_512 : i32
      %add3A_514 = arith.constant 5 : i32
      %add3A_515 = arith.addi %mul3A_513, %add3A_514 : i32
      %mul3A_516 = arith.constant 16 : i32
      %mul3A_517 = arith.muli %add3A_515, %mul3A_516 : i32
      %add3A_518 = vector.broadcast %mul3A_517 : i32 to vector<16xi32>
      %add3A_519 = arith.addi %add3A_518, %iota3A : vector<16xi32>
      %get3A_520 = arith.index_cast %mul3A_517 : i32 to index
      %get3A_521 = tpu.vector_load %arg8[%get3A_520] {strides = array<i32>} : memref<32896xf32, #tpu.memory_space<vmem>>, vector<16xf32>,
      %ge3A_522 = vector.broadcast %sub3A_187 : i32 to vector<16xi32>
      %ge3A_523 = arith.cmpi sge, %add3A_519, %ge3A_522 : vector<16xi32>
      %lt3A_524 = vector.broadcast %sub3A_188 : i32 to vector<16xi32>
      %lt3A_525 = arith.cmpi slt, %add3A_519, %lt3A_524 : vector<16xi32>
      %and3A_526 = arith.andi %ge3A_523, %lt3A_525 : vector<16xi1>
      %gt3A_527 = vector.broadcast %sub3A_311 : f32 to vector<16xf32>
      %gt3A_528 = arith.cmpf ogt, %get3A_521, %gt3A_527 : vector<16xf32>
      %and3A_529 = arith.andi %and3A_526, %gt3A_528 : vector<16xi1>
      %sub3A_530 = vector.broadcast %squeeze3A_309 : f32 to vector<16xf32>
      %sub3A_531 = arith.subf %get3A_521, %sub3A_530 : vector<16xf32>
      %swap3A_532 = arith.index_cast %add3A_511 : i32 to index
      %swap3A_533 = tpu.vector_load %arg9[%swap3A_532] masked %and3A_529 {strides = array<i32>} : memref<32784xf32, #tpu.memory_space<vmem>>, vector<16xf32>, vector<16xi1>
      tpu.vector_store %arg9[%swap3A_532], %sub3A_531 masked %and3A_529 {strides = array<i32>} : memref<32784xf32, #tpu.memory_space<vmem>>, vector<16xf32>, vector<16xi1>
      %all_reduce_population_count3A_534 = tpu.all_reduce %and3A_529 {dim = 0 : i64, kind = #tpu.reduction_kind<sum>} : vector<16xi1> -> vector<16xi32>
      %slice3A_535 = vector.extract_strided_slice %all_reduce_population_count3A_534 {offsets = [0], sizes = [1], strides = [1]} : vector<16xi32> to vector<1xi32>
      %squeeze3A_536 = vector.extract %slice3A_535[0] : i32 from vector<1xi32>
      %add3A_537 = arith.addi %add3A_511, %squeeze3A_536 : i32
      %mul3A_538 = arith.constant 8 : i32
      %mul3A_539 = arith.muli %while3A_384, %mul3A_538 : i32
      %add3A_540 = arith.constant 6 : i32
      %add3A_541 = arith.addi %mul3A_539, %add3A_540 : i32
      %mul3A_542 = arith.constant 16 : i32
      %mul3A_543 = arith.muli %add3A_541, %mul3A_542 : i32
      %add3A_544 = vector.broadcast %mul3A_543 : i32 to vector<16xi32>
      %add3A_545 = arith.addi %add3A_544, %iota3A : vector<16xi32>
      %get3A_546 = arith.index_cast %mul3A_543 : i32 to index
      %get3A_547 = tpu.vector_load %arg8[%get3A_546] {strides = array<i32>} : memref<32896xf32, #tpu.memory_space<vmem>>, vector<16xf32>,
      %ge3A_548 = vector.broadcast %sub3A_187 : i32 to vector<16xi32>
      %ge3A_549 = arith.cmpi sge, %add3A_545, %ge3A_548 : vector<16xi32>
      %lt3A_550 = vector.broadcast %sub3A_188 : i32 to vector<16xi32>
      %lt3A_551 = arith.cmpi slt, %add3A_545, %lt3A_550 : vector<16xi32>
      %and3A_552 = arith.andi %ge3A_549, %lt3A_551 : vector<16xi1>
      %gt3A_553 = vector.broadcast %sub3A_311 : f32 to vector<16xf32>
      %gt3A_554 = arith.cmpf ogt, %get3A_547, %gt3A_553 : vector<16xf32>
      %and3A_555 = arith.andi %and3A_552, %gt3A_554 : vector<16xi1>
      %sub3A_556 = vector.broadcast %squeeze3A_309 : f32 to vector<16xf32>
      %sub3A_557 = arith.subf %get3A_547, %sub3A_556 : vector<16xf32>
      %swap3A_558 = arith.index_cast %add3A_537 : i32 to index
      %swap3A_559 = tpu.vector_load %arg9[%swap3A_558] masked %and3A_555 {strides = array<i32>} : memref<32784xf32, #tpu.memory_space<vmem>>, vector<16xf32>, vector<16xi1>
      tpu.vector_store %arg9[%swap3A_558], %sub3A_557 masked %and3A_555 {strides = array<i32>} : memref<32784xf32, #tpu.memory_space<vmem>>, vector<16xf32>, vector<16xi1>
      %all_reduce_population_count3A_560 = tpu.all_reduce %and3A_555 {dim = 0 : i64, kind = #tpu.reduction_kind<sum>} : vector<16xi1> -> vector<16xi32>
      %slice3A_561 = vector.extract_strided_slice %all_reduce_population_count3A_560 {offsets = [0], sizes = [1], strides = [1]} : vector<16xi32> to vector<1xi32>
      %squeeze3A_562 = vector.extract %slice3A_561[0] : i32 from vector<1xi32>
      %add3A_563 = arith.addi %add3A_537, %squeeze3A_562 : i32
      %mul3A_564 = arith.constant 8 : i32
      %mul3A_565 = arith.muli %while3A_384, %mul3A_564 : i32
      %add3A_566 = arith.constant 7 : i32
      %add3A_567 = arith.addi %mul3A_565, %add3A_566 : i32
      %mul3A_568 = arith.constant 16 : i32
      %mul3A_569 = arith.muli %add3A_567, %mul3A_568 : i32
      %add3A_570 = vector.broadcast %mul3A_569 : i32 to vector<16xi32>
      %add3A_571 = arith.addi %add3A_570, %iota3A : vector<16xi32>
      %get3A_572 = arith.index_cast %mul3A_569 : i32 to index
      %get3A_573 = tpu.vector_load %arg8[%get3A_572] {strides = array<i32>} : memref<32896xf32, #tpu.memory_space<vmem>>, vector<16xf32>,
      %ge3A_574 = vector.broadcast %sub3A_187 : i32 to vector<16xi32>
      %ge3A_575 = arith.cmpi sge, %add3A_571, %ge3A_574 : vector<16xi32>
      %lt3A_576 = vector.broadcast %sub3A_188 : i32 to vector<16xi32>
      %lt3A_577 = arith.cmpi slt, %add3A_571, %lt3A_576 : vector<16xi32>
      %and3A_578 = arith.andi %ge3A_575, %lt3A_577 : vector<16xi1>
      %gt3A_579 = vector.broadcast %sub3A_311 : f32 to vector<16xf32>
      %gt3A_580 = arith.cmpf ogt, %get3A_573, %gt3A_579 : vector<16xf32>
      %and3A_581 = arith.andi %and3A_578, %gt3A_580 : vector<16xi1>
      %sub3A_582 = vector.broadcast %squeeze3A_309 : f32 to vector<16xf32>
      %sub3A_583 = arith.subf %get3A_573, %sub3A_582 : vector<16xf32>
      %swap3A_584 = arith.index_cast %add3A_563 : i32 to index
      %swap3A_585 = tpu.vector_load %arg9[%swap3A_584] masked %and3A_581 {strides = array<i32>} : memref<32784xf32, #tpu.memory_space<vmem>>, vector<16xf32>, vector<16xi1>
      tpu.vector_store %arg9[%swap3A_584], %sub3A_583 masked %and3A_581 {strides = array<i32>} : memref<32784xf32, #tpu.memory_space<vmem>>, vector<16xf32>, vector<16xi1>
      %all_reduce_population_count3A_586 = tpu.all_reduce %and3A_581 {dim = 0 : i64, kind = #tpu.reduction_kind<sum>} : vector<16xi1> -> vector<16xi32>
      %slice3A_587 = vector.extract_strided_slice %all_reduce_population_count3A_586 {offsets = [0], sizes = [1], strides = [1]} : vector<16xi32> to vector<1xi32>
      %squeeze3A_588 = vector.extract %slice3A_587[0] : i32 from vector<1xi32>
      %add3A_589 = arith.addi %add3A_563, %squeeze3A_588 : i32
      scf.yield %add3A_589 : i32
    }
    %while3A_321 = arith.constant 1 : i32
    %while3A_322 = scf.for %while3A_384 = %while3A_318 to %while3A_314 step %while3A_321 iter_args(%while3A_385 = %while3A_320) -> (i32)  : i32 {
      %mul3A_386 = arith.constant 8 : i32
      %mul3A_387 = arith.muli %while3A_384, %mul3A_386 : i32
      %add3A_388 = arith.constant 0 : i32
      %add3A_389 = arith.addi %mul3A_387, %add3A_388 : i32
      %mul3A_390 = arith.constant 16 : i32
      %mul3A_391 = arith.muli %add3A_389, %mul3A_390 : i32
      %add3A_392 = vector.broadcast %mul3A_391 : i32 to vector<16xi32>
      %add3A_393 = arith.addi %add3A_392, %iota3A : vector<16xi32>
      %get3A_394 = arith.index_cast %mul3A_391 : i32 to index
      %get3A_395 = tpu.vector_load %arg8[%get3A_394] {strides = array<i32>} : memref<32896xf32, #tpu.memory_space<vmem>>, vector<16xf32>,
      %ge3A = vector.broadcast %sub3A_187 : i32 to vector<16xi32>
      %ge3A_396 = arith.cmpi sge, %add3A_393, %ge3A : vector<16xi32>
      %lt3A = vector.broadcast %sub3A_188 : i32 to vector<16xi32>
      %lt3A_397 = arith.cmpi slt, %add3A_393, %lt3A : vector<16xi32>
      %and3A_398 = arith.andi %ge3A_396, %lt3A_397 : vector<16xi1>
      %gt3A = vector.broadcast %sub3A_311 : f32 to vector<16xf32>
      %gt3A_399 = arith.cmpf ogt, %get3A_395, %gt3A : vector<16xf32>
      %and3A_400 = arith.andi %and3A_398, %gt3A_399 : vector<16xi1>
      %sub3A_401 = vector.broadcast %squeeze3A_309 : f32 to vector<16xf32>
      %sub3A_402 = arith.subf %get3A_395, %sub3A_401 : vector<16xf32>
      %swap3A_403 = arith.index_cast %while3A_385 : i32 to index
      %swap3A_404 = tpu.vector_load %arg9[%swap3A_403] masked %and3A_400 {strides = array<i32>} : memref<32784xf32, #tpu.memory_space<vmem>>, vector<16xf32>, vector<16xi1>
      tpu.vector_store %arg9[%swap3A_403], %sub3A_402 masked %and3A_400 {strides = array<i32>} : memref<32784xf32, #tpu.memory_space<vmem>>, vector<16xf32>, vector<16xi1>
      %all_reduce_population_count3A = tpu.all_reduce %and3A_400 {dim = 0 : i64, kind = #tpu.reduction_kind<sum>} : vector<16xi1> -> vector<16xi32>
      %slice3A_405 = vector.extract_strided_slice %all_reduce_population_count3A {offsets = [0], sizes = [1], strides = [1]} : vector<16xi32> to vector<1xi32>
      %squeeze3A_406 = vector.extract %slice3A_405[0] : i32 from vector<1xi32>
      %add3A_407 = arith.addi %while3A_385, %squeeze3A_406 : i32
      %mul3A_408 = arith.constant 8 : i32
      %mul3A_409 = arith.muli %while3A_384, %mul3A_408 : i32
      %add3A_410 = arith.constant 1 : i32
      %add3A_411 = arith.addi %mul3A_409, %add3A_410 : i32
      %mul3A_412 = arith.constant 16 : i32
      %mul3A_413 = arith.muli %add3A_411, %mul3A_412 : i32
      %add3A_414 = vector.broadcast %mul3A_413 : i32 to vector<16xi32>
      %add3A_415 = arith.addi %add3A_414, %iota3A : vector<16xi32>
      %get3A_416 = arith.index_cast %mul3A_413 : i32 to index
      %get3A_417 = tpu.vector_load %arg8[%get3A_416] {strides = array<i32>} : memref<32896xf32, #tpu.memory_space<vmem>>, vector<16xf32>,
      %ge3A_418 = vector.broadcast %sub3A_187 : i32 to vector<16xi32>
      %ge3A_419 = arith.cmpi sge, %add3A_415, %ge3A_418 : vector<16xi32>
      %lt3A_420 = vector.broadcast %sub3A_188 : i32 to vector<16xi32>
      %lt3A_421 = arith.cmpi slt, %add3A_415, %lt3A_420 : vector<16xi32>
      %and3A_422 = arith.andi %ge3A_419, %lt3A_421 : vector<16xi1>
      %gt3A_423 = vector.broadcast %sub3A_311 : f32 to vector<16xf32>
      %gt3A_424 = arith.cmpf ogt, %get3A_417, %gt3A_423 : vector<16xf32>
      %and3A_425 = arith.andi %and3A_422, %gt3A_424 : vector<16xi1>
      %sub3A_426 = vector.broadcast %squeeze3A_309 : f32 to vector<16xf32>
      %sub3A_427 = arith.subf %get3A_417, %sub3A_426 : vector<16xf32>
      %swap3A_428 = arith.index_cast %add3A_407 : i32 to index
      %swap3A_429 = tpu.vector_load %arg9[%swap3A_428] masked %and3A_425 {strides = array<i32>} : memref<32784xf32, #tpu.memory_space<vmem>>, vector<16xf32>, vector<16xi1>
      tpu.vector_store %arg9[%swap3A_428], %sub3A_427 masked %and3A_425 {strides = array<i32>} : memref<32784xf32, #tpu.memory_space<vmem>>, vector<16xf32>, vector<16xi1>
      %all_reduce_population_count3A_430 = tpu.all_reduce %and3A_425 {dim = 0 : i64, kind = #tpu.reduction_kind<sum>} : vector<16xi1> -> vector<16xi32>
      %slice3A_431 = vector.extract_strided_slice %all_reduce_population_count3A_430 {offsets = [0], sizes = [1], strides = [1]} : vector<16xi32> to vector<1xi32>
      %squeeze3A_432 = vector.extract %slice3A_431[0] : i32 from vector<1xi32>
      %add3A_433 = arith.addi %add3A_407, %squeeze3A_432 : i32
      %mul3A_434 = arith.constant 8 : i32
      %mul3A_435 = arith.muli %while3A_384, %mul3A_434 : i32
      %add3A_436 = arith.constant 2 : i32
      %add3A_437 = arith.addi %mul3A_435, %add3A_436 : i32
      %mul3A_438 = arith.constant 16 : i32
      %mul3A_439 = arith.muli %add3A_437, %mul3A_438 : i32
      %add3A_440 = vector.broadcast %mul3A_439 : i32 to vector<16xi32>
      %add3A_441 = arith.addi %add3A_440, %iota3A : vector<16xi32>
      %get3A_442 = arith.index_cast %mul3A_439 : i32 to index
      %get3A_443 = tpu.vector_load %arg8[%get3A_442] {strides = array<i32>} : memref<32896xf32, #tpu.memory_space<vmem>>, vector<16xf32>,
      %ge3A_444 = vector.broadcast %sub3A_187 : i32 to vector<16xi32>
      %ge3A_445 = arith.cmpi sge, %add3A_441, %ge3A_444 : vector<16xi32>
      %lt3A_446 = vector.broadcast %sub3A_188 : i32 to vector<16xi32>
      %lt3A_447 = arith.cmpi slt, %add3A_441, %lt3A_446 : vector<16xi32>
      %and3A_448 = arith.andi %ge3A_445, %lt3A_447 : vector<16xi1>
      %gt3A_449 = vector.broadcast %sub3A_311 : f32 to vector<16xf32>
      %gt3A_450 = arith.cmpf ogt, %get3A_443, %gt3A_449 : vector<16xf32>
      %and3A_451 = arith.andi %and3A_448, %gt3A_450 : vector<16xi1>
      %sub3A_452 = vector.broadcast %squeeze3A_309 : f32 to vector<16xf32>
      %sub3A_453 = arith.subf %get3A_443, %sub3A_452 : vector<16xf32>
      %swap3A_454 = arith.index_cast %add3A_433 : i32 to index
      %swap3A_455 = tpu.vector_load %arg9[%swap3A_454] masked %and3A_451 {strides = array<i32>} : memref<32784xf32, #tpu.memory_space<vmem>>, vector<16xf32>, vector<16xi1>
      tpu.vector_store %arg9[%swap3A_454], %sub3A_453 masked %and3A_451 {strides = array<i32>} : memref<32784xf32, #tpu.memory_space<vmem>>, vector<16xf32>, vector<16xi1>
      %all_reduce_population_count3A_456 = tpu.all_reduce %and3A_451 {dim = 0 : i64, kind = #tpu.reduction_kind<sum>} : vector<16xi1> -> vector<16xi32>
      %slice3A_457 = vector.extract_strided_slice %all_reduce_population_count3A_456 {offsets = [0], sizes = [1], strides = [1]} : vector<16xi32> to vector<1xi32>
      %squeeze3A_458 = vector.extract %slice3A_457[0] : i32 from vector<1xi32>
      %add3A_459 = arith.addi %add3A_433, %squeeze3A_458 : i32
      %mul3A_460 = arith.constant 8 : i32
      %mul3A_461 = arith.muli %while3A_384, %mul3A_460 : i32
      %add3A_462 = arith.constant 3 : i32
      %add3A_463 = arith.addi %mul3A_461, %add3A_462 : i32
      %mul3A_464 = arith.constant 16 : i32
      %mul3A_465 = arith.muli %add3A_463, %mul3A_464 : i32
      %add3A_466 = vector.broadcast %mul3A_465 : i32 to vector<16xi32>
      %add3A_467 = arith.addi %add3A_466, %iota3A : vector<16xi32>
      %get3A_468 = arith.index_cast %mul3A_465 : i32 to index
      %get3A_469 = tpu.vector_load %arg8[%get3A_468] {strides = array<i32>} : memref<32896xf32, #tpu.memory_space<vmem>>, vector<16xf32>,
      %ge3A_470 = vector.broadcast %sub3A_187 : i32 to vector<16xi32>
      %ge3A_471 = arith.cmpi sge, %add3A_467, %ge3A_470 : vector<16xi32>
      %lt3A_472 = vector.broadcast %sub3A_188 : i32 to vector<16xi32>
      %lt3A_473 = arith.cmpi slt, %add3A_467, %lt3A_472 : vector<16xi32>
      %and3A_474 = arith.andi %ge3A_471, %lt3A_473 : vector<16xi1>
      %gt3A_475 = vector.broadcast %sub3A_311 : f32 to vector<16xf32>
      %gt3A_476 = arith.cmpf ogt, %get3A_469, %gt3A_475 : vector<16xf32>
      %and3A_477 = arith.andi %and3A_474, %gt3A_476 : vector<16xi1>
      %sub3A_478 = vector.broadcast %squeeze3A_309 : f32 to vector<16xf32>
      %sub3A_479 = arith.subf %get3A_469, %sub3A_478 : vector<16xf32>
      %swap3A_480 = arith.index_cast %add3A_459 : i32 to index
      %swap3A_481 = tpu.vector_load %arg9[%swap3A_480] masked %and3A_477 {strides = array<i32>} : memref<32784xf32, #tpu.memory_space<vmem>>, vector<16xf32>, vector<16xi1>
      tpu.vector_store %arg9[%swap3A_480], %sub3A_479 masked %and3A_477 {strides = array<i32>} : memref<32784xf32, #tpu.memory_space<vmem>>, vector<16xf32>, vector<16xi1>
      %all_reduce_population_count3A_482 = tpu.all_reduce %and3A_477 {dim = 0 : i64, kind = #tpu.reduction_kind<sum>} : vector<16xi1> -> vector<16xi32>
      %slice3A_483 = vector.extract_strided_slice %all_reduce_population_count3A_482 {offsets = [0], sizes = [1], strides = [1]} : vector<16xi32> to vector<1xi32>
      %squeeze3A_484 = vector.extract %slice3A_483[0] : i32 from vector<1xi32>
      %add3A_485 = arith.addi %add3A_459, %squeeze3A_484 : i32
      %mul3A_486 = arith.constant 8 : i32
      %mul3A_487 = arith.muli %while3A_384, %mul3A_486 : i32
      %add3A_488 = arith.constant 4 : i32
      %add3A_489 = arith.addi %mul3A_487, %add3A_488 : i32
      %mul3A_490 = arith.constant 16 : i32
      %mul3A_491 = arith.muli %add3A_489, %mul3A_490 : i32
      %add3A_492 = vector.broadcast %mul3A_491 : i32 to vector<16xi32>
      %add3A_493 = arith.addi %add3A_492, %iota3A : vector<16xi32>
      %get3A_494 = arith.index_cast %mul3A_491 : i32 to index
      %get3A_495 = tpu.vector_load %arg8[%get3A_494] {strides = array<i32>} : memref<32896xf32, #tpu.memory_space<vmem>>, vector<16xf32>,
      %ge3A_496 = vector.broadcast %sub3A_187 : i32 to vector<16xi32>
      %ge3A_497 = arith.cmpi sge, %add3A_493, %ge3A_496 : vector<16xi32>
      %lt3A_498 = vector.broadcast %sub3A_188 : i32 to vector<16xi32>
      %lt3A_499 = arith.cmpi slt, %add3A_493, %lt3A_498 : vector<16xi32>
      %and3A_500 = arith.andi %ge3A_497, %lt3A_499 : vector<16xi1>
      %gt3A_501 = vector.broadcast %sub3A_311 : f32 to vector<16xf32>
      %gt3A_502 = arith.cmpf ogt, %get3A_495, %gt3A_501 : vector<16xf32>
      %and3A_503 = arith.andi %and3A_500, %gt3A_502 : vector<16xi1>
      %sub3A_504 = vector.broadcast %squeeze3A_309 : f32 to vector<16xf32>
      %sub3A_505 = arith.subf %get3A_495, %sub3A_504 : vector<16xf32>
      %swap3A_506 = arith.index_cast %add3A_485 : i32 to index
      %swap3A_507 = tpu.vector_load %arg9[%swap3A_506] masked %and3A_503 {strides = array<i32>} : memref<32784xf32, #tpu.memory_space<vmem>>, vector<16xf32>, vector<16xi1>
      tpu.vector_store %arg9[%swap3A_506], %sub3A_505 masked %and3A_503 {strides = array<i32>} : memref<32784xf32, #tpu.memory_space<vmem>>, vector<16xf32>, vector<16xi1>
      %all_reduce_population_count3A_508 = tpu.all_reduce %and3A_503 {dim = 0 : i64, kind = #tpu.reduction_kind<sum>} : vector<16xi1> -> vector<16xi32>
      %slice3A_509 = vector.extract_strided_slice %all_reduce_population_count3A_508 {offsets = [0], sizes = [1], strides = [1]} : vector<16xi32> to vector<1xi32>
      %squeeze3A_510 = vector.extract %slice3A_509[0] : i32 from vector<1xi32>
      %add3A_511 = arith.addi %add3A_485, %squeeze3A_510 : i32
      %mul3A_512 = arith.constant 8 : i32
      %mul3A_513 = arith.muli %while3A_384, %mul3A_512 : i32
      %add3A_514 = arith.constant 5 : i32
      %add3A_515 = arith.addi %mul3A_513, %add3A_514 : i32
      %mul3A_516 = arith.constant 16 : i32
      %mul3A_517 = arith.muli %add3A_515, %mul3A_516 : i32
      %add3A_518 = vector.broadcast %mul3A_517 : i32 to vector<16xi32>
      %add3A_519 = arith.addi %add3A_518, %iota3A : vector<16xi32>
      %get3A_520 = arith.index_cast %mul3A_517 : i32 to index
      %get3A_521 = tpu.vector_load %arg8[%get3A_520] {strides = array<i32>} : memref<32896xf32, #tpu.memory_space<vmem>>, vector<16xf32>,
      %ge3A_522 = vector.broadcast %sub3A_187 : i32 to vector<16xi32>
      %ge3A_523 = arith.cmpi sge, %add3A_519, %ge3A_522 : vector<16xi32>
      %lt3A_524 = vector.broadcast %sub3A_188 : i32 to vector<16xi32>
      %lt3A_525 = arith.cmpi slt, %add3A_519, %lt3A_524 : vector<16xi32>
      %and3A_526 = arith.andi %ge3A_523, %lt3A_525 : vector<16xi1>
      %gt3A_527 = vector.broadcast %sub3A_311 : f32 to vector<16xf32>
      %gt3A_528 = arith.cmpf ogt, %get3A_521, %gt3A_527 : vector<16xf32>
      %and3A_529 = arith.andi %and3A_526, %gt3A_528 : vector<16xi1>
      %sub3A_530 = vector.broadcast %squeeze3A_309 : f32 to vector<16xf32>
      %sub3A_531 = arith.subf %get3A_521, %sub3A_530 : vector<16xf32>
      %swap3A_532 = arith.index_cast %add3A_511 : i32 to index
      %swap3A_533 = tpu.vector_load %arg9[%swap3A_532] masked %and3A_529 {strides = array<i32>} : memref<32784xf32, #tpu.memory_space<vmem>>, vector<16xf32>, vector<16xi1>
      tpu.vector_store %arg9[%swap3A_532], %sub3A_531 masked %and3A_529 {strides = array<i32>} : memref<32784xf32, #tpu.memory_space<vmem>>, vector<16xf32>, vector<16xi1>
      %all_reduce_population_count3A_534 = tpu.all_reduce %and3A_529 {dim = 0 : i64, kind = #tpu.reduction_kind<sum>} : vector<16xi1> -> vector<16xi32>
      %slice3A_535 = vector.extract_strided_slice %all_reduce_population_count3A_534 {offsets = [0], sizes = [1], strides = [1]} : vector<16xi32> to vector<1xi32>
      %squeeze3A_536 = vector.extract %slice3A_535[0] : i32 from vector<1xi32>
      %add3A_537 = arith.addi %add3A_511, %squeeze3A_536 : i32
      %mul3A_538 = arith.constant 8 : i32
      %mul3A_539 = arith.muli %while3A_384, %mul3A_538 : i32
      %add3A_540 = arith.constant 6 : i32
      %add3A_541 = arith.addi %mul3A_539, %add3A_540 : i32
      %mul3A_542 = arith.constant 16 : i32
      %mul3A_543 = arith.muli %add3A_541, %mul3A_542 : i32
      %add3A_544 = vector.broadcast %mul3A_543 : i32 to vector<16xi32>
      %add3A_545 = arith.addi %add3A_544, %iota3A : vector<16xi32>
      %get3A_546 = arith.index_cast %mul3A_543 : i32 to index
      %get3A_547 = tpu.vector_load %arg8[%get3A_546] {strides = array<i32>} : memref<32896xf32, #tpu.memory_space<vmem>>, vector<16xf32>,
      %ge3A_548 = vector.broadcast %sub3A_187 : i32 to vector<16xi32>
      %ge3A_549 = arith.cmpi sge, %add3A_545, %ge3A_548 : vector<16xi32>
      %lt3A_550 = vector.broadcast %sub3A_188 : i32 to vector<16xi32>
      %lt3A_551 = arith.cmpi slt, %add3A_545, %lt3A_550 : vector<16xi32>
      %and3A_552 = arith.andi %ge3A_549, %lt3A_551 : vector<16xi1>
      %gt3A_553 = vector.broadcast %sub3A_311 : f32 to vector<16xf32>
      %gt3A_554 = arith.cmpf ogt, %get3A_547, %gt3A_553 : vector<16xf32>
      %and3A_555 = arith.andi %and3A_552, %gt3A_554 : vector<16xi1>
      %sub3A_556 = vector.broadcast %squeeze3A_309 : f32 to vector<16xf32>
      %sub3A_557 = arith.subf %get3A_547, %sub3A_556 : vector<16xf32>
      %swap3A_558 = arith.index_cast %add3A_537 : i32 to index
      %swap3A_559 = tpu.vector_load %arg9[%swap3A_558] masked %and3A_555 {strides = array<i32>} : memref<32784xf32, #tpu.memory_space<vmem>>, vector<16xf32>, vector<16xi1>
      tpu.vector_store %arg9[%swap3A_558], %sub3A_557 masked %and3A_555 {strides = array<i32>} : memref<32784xf32, #tpu.memory_space<vmem>>, vector<16xf32>, vector<16xi1>
      %all_reduce_population_count3A_560 = tpu.all_reduce %and3A_555 {dim = 0 : i64, kind = #tpu.reduction_kind<sum>} : vector<16xi1> -> vector<16xi32>
      %slice3A_561 = vector.extract_strided_slice %all_reduce_population_count3A_560 {offsets = [0], sizes = [1], strides = [1]} : vector<16xi32> to vector<1xi32>
      %squeeze3A_562 = vector.extract %slice3A_561[0] : i32 from vector<1xi32>
      %add3A_563 = arith.addi %add3A_537, %squeeze3A_562 : i32
      %mul3A_564 = arith.constant 8 : i32
      %mul3A_565 = arith.muli %while3A_384, %mul3A_564 : i32
      %add3A_566 = arith.constant 7 : i32
      %add3A_567 = arith.addi %mul3A_565, %add3A_566 : i32
      %mul3A_568 = arith.constant 16 : i32
      %mul3A_569 = arith.muli %add3A_567, %mul3A_568 : i32
      %add3A_570 = vector.broadcast %mul3A_569 : i32 to vector<16xi32>
      %add3A_571 = arith.addi %add3A_570, %iota3A : vector<16xi32>
      %get3A_572 = arith.index_cast %mul3A_569 : i32 to index
      %get3A_573 = tpu.vector_load %arg8[%get3A_572] {strides = array<i32>} : memref<32896xf32, #tpu.memory_space<vmem>>, vector<16xf32>,
      %ge3A_574 = vector.broadcast %sub3A_187 : i32 to vector<16xi32>
      %ge3A_575 = arith.cmpi sge, %add3A_571, %ge3A_574 : vector<16xi32>
      %lt3A_576 = vector.broadcast %sub3A_188 : i32 to vector<16xi32>
      %lt3A_577 = arith.cmpi slt, %add3A_571, %lt3A_576 : vector<16xi32>
      %and3A_578 = arith.andi %ge3A_575, %lt3A_577 : vector<16xi1>
      %gt3A_579 = vector.broadcast %sub3A_311 : f32 to vector<16xf32>
      %gt3A_580 = arith.cmpf ogt, %get3A_573, %gt3A_579 : vector<16xf32>
      %and3A_581 = arith.andi %and3A_578, %gt3A_580 : vector<16xi1>
      %sub3A_582 = vector.broadcast %squeeze3A_309 : f32 to vector<16xf32>
      %sub3A_583 = arith.subf %get3A_573, %sub3A_582 : vector<16xf32>
      %swap3A_584 = arith.index_cast %add3A_563 : i32 to index
      %swap3A_585 = tpu.vector_load %arg9[%swap3A_584] masked %and3A_581 {strides = array<i32>} : memref<32784xf32, #tpu.memory_space<vmem>>, vector<16xf32>, vector<16xi1>
      tpu.vector_store %arg9[%swap3A_584], %sub3A_583 masked %and3A_581 {strides = array<i32>} : memref<32784xf32, #tpu.memory_space<vmem>>, vector<16xf32>, vector<16xi1>
      %all_reduce_population_count3A_586 = tpu.all_reduce %and3A_581 {dim = 0 : i64, kind = #tpu.reduction_kind<sum>} : vector<16xi1> -> vector<16xi32>
      %slice3A_587 = vector.extract_strided_slice %all_reduce_population_count3A_586 {offsets = [0], sizes = [1], strides = [1]} : vector<16xi32> to vector<1xi32>
      %squeeze3A_588 = vector.extract %slice3A_587[0] : i32 from vector<1xi32>
      %add3A_589 = arith.addi %add3A_563, %squeeze3A_588 : i32
      scf.yield %add3A_589 : i32
    }
    %broadcast_in_dim3A_323 = arith.constant -1.000000e+30 : f32
    %broadcast_in_dim3A_324 = vector.broadcast %broadcast_in_dim3A_323 : f32 to vector<16xf32>
    %swap3A_325 = arith.index_cast %while3A_322 : i32 to index
    %swap3A_326 = tpu.vector_load %arg9[%swap3A_325] {strides = array<i32>} : memref<32784xf32, #tpu.memory_space<vmem>>, vector<16xf32>,
    tpu.vector_store %arg9[%swap3A_325], %broadcast_in_dim3A_324 {strides = array<i32>} : memref<32784xf32, #tpu.memory_space<vmem>>, vector<16xf32>,
    %add3A_327 = arith.constant 16 : i32
    %add3A_328 = arith.addi %while3A_322, %add3A_327 : i32
    %sub3A_329 = arith.constant 1 : i32
    %sub3A_330 = arith.subi %add3A_328, %sub3A_329 : i32
    %jit3A_331 = arith.constant 16 : i32
    %div3A_332 = arith.divsi %sub3A_330, %jit3A_331 : i32
    %sign3A_333 = arith.constant 0 : i32
    %sign3A_334 = arith.cmpi sgt, %sub3A_330, %sign3A_333 : i32
    %sign3A_335 = arith.extui %sign3A_334 : i1 to i32
    %sign3A_336 = arith.constant 0 : i32
    %sign3A_337 = arith.cmpi slt, %sub3A_330, %sign3A_336 : i32
    %sign3A_338 = arith.extui %sign3A_337 : i1 to i32
    %sign3A_339 = arith.subi %sign3A_335, %sign3A_338 : i32
    %sign3A_340 = arith.constant 0 : i32
    %sign3A_341 = arith.cmpi sgt, %jit3A_331, %sign3A_340 : i32
    %sign3A_342 = arith.extui %sign3A_341 : i1 to i32
    %sign3A_343 = arith.constant 0 : i32
    %sign3A_344 = arith.cmpi slt, %jit3A_331, %sign3A_343 : i32
    %sign3A_345 = arith.extui %sign3A_344 : i1 to i32
    %sign3A_346 = arith.subi %sign3A_342, %sign3A_345 : i32
    %ne3A_347 = arith.cmpi ne, %sign3A_339, %sign3A_346 : i32
    %rem3A_348 = arith.remsi %sub3A_330, %jit3A_331 : i32
    %ne3A_349 = arith.constant 0 : i32
    %ne3A_350 = arith.cmpi ne, %rem3A_348, %ne3A_349 : i32
    %and3A_351 = arith.andi %ne3A_347, %ne3A_350 : i1
    %sub3A_352 = arith.constant 1 : i32
    %sub3A_353 = arith.subi %div3A_332, %sub3A_352 : i32
    %select_n3A_354 = arith.select %and3A_351, %sub3A_353, %div3A_332 : i32
    %le3A = arith.constant 1 : i32
    %le3A_355 = arith.cmpi sle, %select_n3A_354, %le3A : i32
    %convert_element_type3A_356 = arith.extui %le3A_355 : i1 to i32
    %cond3A = arith.constant -1.000000e+00 : f32
    %cond3A_357 = arith.constant 0.000000e+00 : f32
    %cond3A_358 = arith.constant 0 : i32
    %cond3A_359 = arith.constant 0 : i32
    %cond3A_360 = arith.cmpi ne, %convert_element_type3A_356, %cond3A_359 : i32
    %cond3A_361 = scf.if %cond3A_360 -> (f32) {
      %get3A_384 = arith.constant 0 : index
      %get3A_385 = tpu.vector_load %arg9[%get3A_384] {strides = array<i32>} : memref<32784xf32, #tpu.memory_space<vmem>>, vector<16xf32>,
      %masked_sort3A = arith.constant dense<true> : vector<16xi1>
      %masked_sort3A_386, %masked_sort3A_387, %masked_sort3A_388 = tpu.sort %get3A_385, %get3A_385 masked %masked_sort3A {descending = true} : (vector<16xf32>, vector<16xf32>, vector<16xi1>) -> (vector<16xi1>, vector<16xf32>, vector<16xf32>)
      %broadcast_in_dim3A_389 = arith.constant true
      %broadcast_in_dim3A_390 = vector.broadcast %broadcast_in_dim3A_389 : i1 to vector<16xi1>
      %masked_cumsum3A = tpu.scan <sum>, %masked_sort3A_387 masked %broadcast_in_dim3A_390 : vector<16xf32>, vector<16xi1> -> vector<16xf32>
      %sub3A_391 = arith.constant 1.000000e+00 : f32
      %sub3A_392 = vector.broadcast %sub3A_391 : f32 to vector<16xf32>
      %sub3A_393 = arith.subf %masked_cumsum3A, %sub3A_392 : vector<16xf32>
      %add3A_394 = arith.constant 1 : i32
      %add3A_395 = vector.broadcast %add3A_394 : i32 to vector<16xi32>
      %add3A_396 = arith.addi %iota3A, %add3A_395 : vector<16xi32>
      %convert_element_type3A_397 = arith.sitofp %add3A_396 : vector<16xi32> to vector<16xf32>
      %mul3A_398 = arith.mulf %convert_element_type3A_397, %masked_sort3A_387 : vector<16xf32>
      %gt3A = arith.cmpf ogt, %mul3A_398, %sub3A_393 : vector<16xf32>
      %all_reduce_population_count3A = tpu.all_reduce %gt3A {dim = 0 : i64, kind = #tpu.reduction_kind<sum>} : vector<16xi1> -> vector<16xi32>
      %slice3A_399 = vector.extract_strided_slice %all_reduce_population_count3A {offsets = [0], sizes = [1], strides = [1]} : vector<16xi32> to vector<1xi32>
      %squeeze3A_400 = vector.extract %slice3A_399[0] : i32 from vector<1xi32>
      %max3A = arith.constant 1 : i32
      %max3A_401 = arith.maxsi %squeeze3A_400, %max3A : i32
      %sub3A_402 = arith.constant 1 : i32
      %sub3A_403 = arith.subi %max3A_401, %sub3A_402 : i32
      %eq3A_404 = vector.broadcast %sub3A_403 : i32 to vector<16xi32>
      %eq3A_405 = arith.cmpi eq, %iota3A, %eq3A_404 : vector<16xi32>
      %jit3A_406 = arith.constant -1.000000e+30 : f32
      %broadcast_in_dim3A_407 = vector.broadcast %jit3A_406 : f32 to vector<16xf32>
      %select_n3A_408 = arith.select %eq3A_405, %sub3A_393, %broadcast_in_dim3A_407 : vector<16xi1>, vector<16xf32>
      %broadcast_in_dim3A_409 = arith.constant true
      %broadcast_in_dim3A_410 = vector.broadcast %broadcast_in_dim3A_409 : i1 to vector<16xi1>
      %masked_cummax3A_411 = tpu.scan <max>, %select_n3A_408 masked %broadcast_in_dim3A_410 : vector<16xf32>, vector<16xi1> -> vector<16xf32>
      %slice3A_412 = vector.extract_strided_slice %masked_cummax3A_411 {offsets = [15], sizes = [1], strides = [1]} : vector<16xf32> to vector<1xf32>
      %squeeze3A_413 = vector.extract %slice3A_412[0] : f32 from vector<1xf32>
      %eq3A_414 = arith.constant 0 : i32
      %eq3A_415 = vector.broadcast %eq3A_414 : i32 to vector<16xi32>
      %eq3A_416 = arith.cmpi eq, %iota3A, %eq3A_415 : vector<16xi32>
      %jit3A_417 = arith.constant 1.000000e+00 : f32
      %jit3A_418 = arith.constant 1.000000e+00 : f32
      %broadcast_in_dim3A_419 = vector.broadcast %jit3A_417 : f32 to vector<16xf32>
      %broadcast_in_dim3A_420 = vector.broadcast %jit3A_418 : f32 to vector<16xf32>
      %select_n3A_421 = arith.select %eq3A_416, %broadcast_in_dim3A_419, %broadcast_in_dim3A_420 : vector<16xi1>, vector<16xf32>
      %eq3A_422 = arith.constant 1 : i32
      %eq3A_423 = vector.broadcast %eq3A_422 : i32 to vector<16xi32>
      %eq3A_424 = arith.cmpi eq, %iota3A, %eq3A_423 : vector<16xi32>
      %jit3A_425 = arith.constant 5.000000e-01 : f32
      %broadcast_in_dim3A_426 = vector.broadcast %jit3A_425 : f32 to vector<16xf32>
      %select_n3A_427 = arith.select %eq3A_424, %broadcast_in_dim3A_426, %select_n3A_421 : vector<16xi1>, vector<16xf32>
      %eq3A_428 = arith.constant 2 : i32
      %eq3A_429 = vector.broadcast %eq3A_428 : i32 to vector<16xi32>
      %eq3A_430 = arith.cmpi eq, %iota3A, %eq3A_429 : vector<16xi32>
      %jit3A_431 = arith.constant 0.333333343 : f32
      %broadcast_in_dim3A_432 = vector.broadcast %jit3A_431 : f32 to vector<16xf32>
      %select_n3A_433 = arith.select %eq3A_430, %broadcast_in_dim3A_432, %select_n3A_427 : vector<16xi1>, vector<16xf32>
      %eq3A_434 = arith.constant 3 : i32
      %eq3A_435 = vector.broadcast %eq3A_434 : i32 to vector<16xi32>
      %eq3A_436 = arith.cmpi eq, %iota3A, %eq3A_435 : vector<16xi32>
      %jit3A_437 = arith.constant 2.500000e-01 : f32
      %broadcast_in_dim3A_438 = vector.broadcast %jit3A_437 : f32 to vector<16xf32>
      %select_n3A_439 = arith.select %eq3A_436, %broadcast_in_dim3A_438, %select_n3A_433 : vector<16xi1>, vector<16xf32>
      %eq3A_440 = arith.constant 4 : i32
      %eq3A_441 = vector.broadcast %eq3A_440 : i32 to vector<16xi32>
      %eq3A_442 = arith.cmpi eq, %iota3A, %eq3A_441 : vector<16xi32>
      %jit3A_443 = arith.constant 2.000000e-01 : f32
      %broadcast_in_dim3A_444 = vector.broadcast %jit3A_443 : f32 to vector<16xf32>
      %select_n3A_445 = arith.select %eq3A_442, %broadcast_in_dim3A_444, %select_n3A_439 : vector<16xi1>, vector<16xf32>
      %eq3A_446 = arith.constant 5 : i32
      %eq3A_447 = vector.broadcast %eq3A_446 : i32 to vector<16xi32>
      %eq3A_448 = arith.cmpi eq, %iota3A, %eq3A_447 : vector<16xi32>
      %jit3A_449 = arith.constant 0.166666672 : f32
      %broadcast_in_dim3A_450 = vector.broadcast %jit3A_449 : f32 to vector<16xf32>
      %select_n3A_451 = arith.select %eq3A_448, %broadcast_in_dim3A_450, %select_n3A_445 : vector<16xi1>, vector<16xf32>
      %eq3A_452 = arith.constant 6 : i32
      %eq3A_453 = vector.broadcast %eq3A_452 : i32 to vector<16xi32>
      %eq3A_454 = arith.cmpi eq, %iota3A, %eq3A_453 : vector<16xi32>
      %jit3A_455 = arith.constant 0.142857149 : f32
      %broadcast_in_dim3A_456 = vector.broadcast %jit3A_455 : f32 to vector<16xf32>
      %select_n3A_457 = arith.select %eq3A_454, %broadcast_in_dim3A_456, %select_n3A_451 : vector<16xi1>, vector<16xf32>
      %eq3A_458 = arith.constant 7 : i32
      %eq3A_459 = vector.broadcast %eq3A_458 : i32 to vector<16xi32>
      %eq3A_460 = arith.cmpi eq, %iota3A, %eq3A_459 : vector<16xi32>
      %jit3A_461 = arith.constant 1.250000e-01 : f32
      %broadcast_in_dim3A_462 = vector.broadcast %jit3A_461 : f32 to vector<16xf32>
      %select_n3A_463 = arith.select %eq3A_460, %broadcast_in_dim3A_462, %select_n3A_457 : vector<16xi1>, vector<16xf32>
      %eq3A_464 = arith.constant 8 : i32
      %eq3A_465 = vector.broadcast %eq3A_464 : i32 to vector<16xi32>
      %eq3A_466 = arith.cmpi eq, %iota3A, %eq3A_465 : vector<16xi32>
      %jit3A_467 = arith.constant 0.111111112 : f32
      %broadcast_in_dim3A_468 = vector.broadcast %jit3A_467 : f32 to vector<16xf32>
      %select_n3A_469 = arith.select %eq3A_466, %broadcast_in_dim3A_468, %select_n3A_463 : vector<16xi1>, vector<16xf32>
      %eq3A_470 = arith.constant 9 : i32
      %eq3A_471 = vector.broadcast %eq3A_470 : i32 to vector<16xi32>
      %eq3A_472 = arith.cmpi eq, %iota3A, %eq3A_471 : vector<16xi32>
      %jit3A_473 = arith.constant 1.000000e-01 : f32
      %broadcast_in_dim3A_474 = vector.broadcast %jit3A_473 : f32 to vector<16xf32>
      %select_n3A_475 = arith.select %eq3A_472, %broadcast_in_dim3A_474, %select_n3A_469 : vector<16xi1>, vector<16xf32>
      %eq3A_476 = arith.constant 10 : i32
      %eq3A_477 = vector.broadcast %eq3A_476 : i32 to vector<16xi32>
      %eq3A_478 = arith.cmpi eq, %iota3A, %eq3A_477 : vector<16xi32>
      %jit3A_479 = arith.constant 0.0909090936 : f32
      %broadcast_in_dim3A_480 = vector.broadcast %jit3A_479 : f32 to vector<16xf32>
      %select_n3A_481 = arith.select %eq3A_478, %broadcast_in_dim3A_480, %select_n3A_475 : vector<16xi1>, vector<16xf32>
      %eq3A_482 = arith.constant 11 : i32
      %eq3A_483 = vector.broadcast %eq3A_482 : i32 to vector<16xi32>
      %eq3A_484 = arith.cmpi eq, %iota3A, %eq3A_483 : vector<16xi32>
      %jit3A_485 = arith.constant 0.0833333358 : f32
      %broadcast_in_dim3A_486 = vector.broadcast %jit3A_485 : f32 to vector<16xf32>
      %select_n3A_487 = arith.select %eq3A_484, %broadcast_in_dim3A_486, %select_n3A_481 : vector<16xi1>, vector<16xf32>
      %eq3A_488 = arith.constant 12 : i32
      %eq3A_489 = vector.broadcast %eq3A_488 : i32 to vector<16xi32>
      %eq3A_490 = arith.cmpi eq, %iota3A, %eq3A_489 : vector<16xi32>
      %jit3A_491 = arith.constant 0.0769230798 : f32
      %broadcast_in_dim3A_492 = vector.broadcast %jit3A_491 : f32 to vector<16xf32>
      %select_n3A_493 = arith.select %eq3A_490, %broadcast_in_dim3A_492, %select_n3A_487 : vector<16xi1>, vector<16xf32>
      %eq3A_494 = arith.constant 13 : i32
      %eq3A_495 = vector.broadcast %eq3A_494 : i32 to vector<16xi32>
      %eq3A_496 = arith.cmpi eq, %iota3A, %eq3A_495 : vector<16xi32>
      %jit3A_497 = arith.constant 0.0714285746 : f32
      %broadcast_in_dim3A_498 = vector.broadcast %jit3A_497 : f32 to vector<16xf32>
      %select_n3A_499 = arith.select %eq3A_496, %broadcast_in_dim3A_498, %select_n3A_493 : vector<16xi1>, vector<16xf32>
      %eq3A_500 = arith.constant 14 : i32
      %eq3A_501 = vector.broadcast %eq3A_500 : i32 to vector<16xi32>
      %eq3A_502 = arith.cmpi eq, %iota3A, %eq3A_501 : vector<16xi32>
      %jit3A_503 = arith.constant 0.0666666701 : f32
      %broadcast_in_dim3A_504 = vector.broadcast %jit3A_503 : f32 to vector<16xf32>
      %select_n3A_505 = arith.select %eq3A_502, %broadcast_in_dim3A_504, %select_n3A_499 : vector<16xi1>, vector<16xf32>
      %eq3A_506 = arith.constant 15 : i32
      %eq3A_507 = vector.broadcast %eq3A_506 : i32 to vector<16xi32>
      %eq3A_508 = arith.cmpi eq, %iota3A, %eq3A_507 : vector<16xi32>
      %jit3A_509 = arith.constant 6.250000e-02 : f32
      %broadcast_in_dim3A_510 = vector.broadcast %jit3A_509 : f32 to vector<16xf32>
      %select_n3A_511 = arith.select %eq3A_508, %broadcast_in_dim3A_510, %select_n3A_505 : vector<16xi1>, vector<16xf32>
      %sub3A_512 = arith.constant 1 : i32
      %sub3A_513 = arith.subi %max3A_401, %sub3A_512 : i32
      %eq3A_514 = vector.broadcast %sub3A_513 : i32 to vector<16xi32>
      %eq3A_515 = arith.cmpi eq, %iota3A, %eq3A_514 : vector<16xi32>
      %jit3A_516 = arith.constant -1.000000e+30 : f32
      %broadcast_in_dim3A_517 = vector.broadcast %jit3A_516 : f32 to vector<16xf32>
      %select_n3A_518 = arith.select %eq3A_515, %select_n3A_511, %broadcast_in_dim3A_517 : vector<16xi1>, vector<16xf32>
      %broadcast_in_dim3A_519 = arith.constant true
      %broadcast_in_dim3A_520 = vector.broadcast %broadcast_in_dim3A_519 : i1 to vector<16xi1>
      %masked_cummax3A_521 = tpu.scan <max>, %select_n3A_518 masked %broadcast_in_dim3A_520 : vector<16xf32>, vector<16xi1> -> vector<16xf32>
      %slice3A_522 = vector.extract_strided_slice %masked_cummax3A_521 {offsets = [15], sizes = [1], strides = [1]} : vector<16xf32> to vector<1xf32>
      %squeeze3A_523 = vector.extract %slice3A_522[0] : f32 from vector<1xf32>
      %mul3A_524 = arith.mulf %squeeze3A_413, %squeeze3A_523 : f32
      scf.yield %mul3A_524 : f32
    } else {
      %scan3A_384 = arith.constant 0 : i32
      %scan3A_385 = arith.constant 24 : i32
      %scan3A_386 = arith.addi %scan3A_384, %scan3A_385 : i32
      %scan3A_387 = arith.constant 1 : i32
      %scan3A_388:2 = scf.for %scan3A_393 = %scan3A_384 to %scan3A_386 step %scan3A_387 iter_args(%scan3A_394 = %cond3A, %scan3A_395 = %cond3A_357) -> (f32, f32)  : i32 {
        %add3A_396 = arith.addf %scan3A_394, %scan3A_395 : f32
        %mul3A_397 = arith.constant 5.000000e-01 : f32
        %mul3A_398 = arith.mulf %mul3A_397, %add3A_396 : f32
        %broadcast_in_dim3A_399 = arith.constant 0.000000e+00 : f32
        %broadcast_in_dim3A_400 = vector.broadcast %broadcast_in_dim3A_399 : f32 to vector<16xf32>
        %while3A_401 = arith.constant 0 : i32
        %while3A_402 = arith.subi %select_n3A_354, %while3A_401 : i32
        %while3A_403 = arith.addi %while3A_401, %while3A_402 : i32
        %while3A_404 = arith.constant 1 : i32
        %while3A_405 = arith.divsi %while3A_402, %while3A_404 : i32
        %while3A_406 = arith.muli %while3A_405, %while3A_404 : i32
        %while3A_407 = arith.addi %while3A_401, %while3A_406 : i32
        %while3A_408 = arith.constant 1 : i32
        %while3A_409 = scf.for %while3A_419 = %while3A_401 to %while3A_407 step %while3A_408 iter_args(%while3A_420 = %broadcast_in_dim3A_400) -> (vector<16xf32>)  : i32 {
          %mul3A_421 = arith.constant 16 : i32
          %mul3A_422 = arith.muli %while3A_419, %mul3A_421 : i32
          %get3A_423 = arith.index_cast %mul3A_422 : i32 to index
          %get3A_424 = tpu.vector_load %arg9[%get3A_423] {strides = array<i32>} : memref<32784xf32, #tpu.memory_space<vmem>>, vector<16xf32>,
          %sub3A_425 = vector.broadcast %mul3A_398 : f32 to vector<16xf32>
          %sub3A_426 = arith.subf %get3A_424, %sub3A_425 : vector<16xf32>
          %max3A = arith.constant 0.000000e+00 : f32
          %max3A_427 = vector.broadcast %max3A : f32 to vector<16xf32>
          %max3A_428 = arith.maximumf %sub3A_426, %max3A_427 : vector<16xf32>
          %add3A_429 = arith.addf %while3A_420, %max3A_428 : vector<16xf32>
          scf.yield %add3A_429 : vector<16xf32>
        }
        %while3A_410 = arith.constant 1 : i32
        %while3A_411 = scf.for %while3A_419 = %while3A_407 to %while3A_403 step %while3A_410 iter_args(%while3A_420 = %while3A_409) -> (vector<16xf32>)  : i32 {
          %mul3A_421 = arith.constant 16 : i32
          %mul3A_422 = arith.muli %while3A_419, %mul3A_421 : i32
          %get3A_423 = arith.index_cast %mul3A_422 : i32 to index
          %get3A_424 = tpu.vector_load %arg9[%get3A_423] {strides = array<i32>} : memref<32784xf32, #tpu.memory_space<vmem>>, vector<16xf32>,
          %sub3A_425 = vector.broadcast %mul3A_398 : f32 to vector<16xf32>
          %sub3A_426 = arith.subf %get3A_424, %sub3A_425 : vector<16xf32>
          %max3A = arith.constant 0.000000e+00 : f32
          %max3A_427 = vector.broadcast %max3A : f32 to vector<16xf32>
          %max3A_428 = arith.maximumf %sub3A_426, %max3A_427 : vector<16xf32>
          %add3A_429 = arith.addf %while3A_420, %max3A_428 : vector<16xf32>
          scf.yield %add3A_429 : vector<16xf32>
        }
        %broadcast_in_dim3A_412 = arith.constant true
        %broadcast_in_dim3A_413 = vector.broadcast %broadcast_in_dim3A_412 : i1 to vector<16xi1>
        %masked_cumsum3A = tpu.scan <sum>, %while3A_411 masked %broadcast_in_dim3A_413 : vector<16xf32>, vector<16xi1> -> vector<16xf32>
        %slice3A_414 = vector.extract_strided_slice %masked_cumsum3A {offsets = [15], sizes = [1], strides = [1]} : vector<16xf32> to vector<1xf32>
        %squeeze3A_415 = vector.extract %slice3A_414[0] : f32 from vector<1xf32>
        %ge3A = arith.constant 1.000000e+00 : f32
        %ge3A_416 = arith.cmpf oge, %squeeze3A_415, %ge3A : f32
        %select_n3A_417 = arith.select %ge3A_416, %mul3A_398, %scan3A_394 : f32
        %select_n3A_418 = arith.select %ge3A_416, %scan3A_395, %mul3A_398 : f32
        scf.yield %select_n3A_417, %select_n3A_418 : f32, f32
      }
      %scan3A_389 = arith.constant 24 : i32
      %add3A_390 = arith.addf %scan3A_388#0, %scan3A_388#1 : f32
      %mul3A_391 = arith.constant 5.000000e-01 : f32
      %mul3A_392 = arith.mulf %mul3A_391, %add3A_390 : f32
      scf.yield %mul3A_392 : f32
    }
    %eq3A_362 = arith.constant 0 : i32
    %eq3A_363 = vector.broadcast %eq3A_362 : i32 to vector<16xi32>
    %eq3A_364 = arith.cmpi eq, %iota3A, %eq3A_363 : vector<16xi32>
    %add3A_365 = arith.addf %squeeze3A_309, %cond3A_361 : f32
    %jit3A_366 = arith.constant 0.000000e+00 : f32
    %broadcast_in_dim3A_367 = vector.broadcast %add3A_365 : f32 to vector<16xf32>
    %broadcast_in_dim3A_368 = vector.broadcast %jit3A_366 : f32 to vector<16xf32>
    %select_n3A_369 = arith.select %eq3A_364, %broadcast_in_dim3A_367, %broadcast_in_dim3A_368 : vector<16xi1>, vector<16xf32>
    %swap3A_370 = arith.constant 0 : index
    %swap3A_371 = tpu.vector_load %arg14[%swap3A_370] {strides = array<i32>} : memref<16xf32, #tpu.memory_space<vmem>>, vector<16xf32>,
    tpu.vector_store %arg14[%swap3A_370], %select_n3A_369 {strides = array<i32>} : memref<16xf32, #tpu.memory_space<vmem>>, vector<16xf32>,
    "tpu.region"() ({
      %run_scoped3A = tpu.sem_alloc : memref<!tpu.dma_semaphore, #tpu.memory_space<semaphore_mem>>
      %dma_start3A_384 = arith.constant 0 : i32
      %dma_start3A_385 = tpu.memref_slice %arg6[%arg1, %dma_start3A_384] : memref<16x16xf32, #tpu.memory_space<hbm>> -> memref<1x16xf32, #tpu.memory_space<hbm>>
      %dma_start3A_386 = tpu.memref_squeeze %dma_start3A_385 : memref<1x16xf32, #tpu.memory_space<hbm>> -> memref<16xf32, #tpu.memory_space<hbm>>
      %dma_start3A_387 = arith.constant 0 : i32
      %dma_start3A_388 = tpu.memref_slice %arg6[%arg1, %dma_start3A_387] : memref<16x16xf32, #tpu.memory_space<hbm>> -> memref<1x16xf32, #tpu.memory_space<hbm>>
      %dma_start3A_389 = tpu.memref_squeeze %dma_start3A_388 : memref<1x16xf32, #tpu.memory_space<hbm>> -> memref<16xf32, #tpu.memory_space<hbm>>
      tpu.enqueue_dma source(%arg14 : memref<16xf32, #tpu.memory_space<vmem>>) target(%dma_start3A_389 : memref<16xf32, #tpu.memory_space<hbm>>) target_semaphore(%run_scoped3A : memref<!tpu.dma_semaphore, #tpu.memory_space<semaphore_mem>>)
      %dma_wait3A_390 = arith.constant 0 : i32
      %dma_wait3A_391 = tpu.memref_slice %arg6[%arg1, %dma_wait3A_390] : memref<16x16xf32, #tpu.memory_space<hbm>> -> memref<1x16xf32, #tpu.memory_space<hbm>>
      %dma_wait3A_392 = tpu.memref_squeeze %dma_wait3A_391 : memref<1x16xf32, #tpu.memory_space<hbm>> -> memref<16xf32, #tpu.memory_space<hbm>>
      %dma_wait3A_393 = arith.constant 0 : i32
      %dma_wait3A_394 = tpu.memref_slice %arg6[%arg1, %dma_wait3A_393] : memref<16x16xf32, #tpu.memory_space<hbm>> -> memref<1x16xf32, #tpu.memory_space<hbm>>
      %dma_wait3A_395 = tpu.memref_squeeze %dma_wait3A_394 : memref<1x16xf32, #tpu.memory_space<hbm>> -> memref<16xf32, #tpu.memory_space<hbm>>
      tpu.wait_dma2 semaphore(%run_scoped3A : memref<!tpu.dma_semaphore, #tpu.memory_space<semaphore_mem>>) src(%arg14 : memref<16xf32, #tpu.memory_space<vmem>>) dst(%dma_wait3A_395 : memref<16xf32, #tpu.memory_space<hbm>>)
      tpu.yield
    }) : () -> ()
    %barrier3A_372 = arith.constant 0 : index
    tpu.barrier barrier_id(%barrier3A_372)
    "tpu.region"() ({
      %run_scoped3A = tpu.sem_alloc : memref<!tpu.dma_semaphore, #tpu.memory_space<semaphore_mem>>
      tpu.enqueue_dma source(%arg6 : memref<16x16xf32, #tpu.memory_space<hbm>>) target(%arg15 : memref<16x16xf32, #tpu.memory_space<vmem>>) target_semaphore(%run_scoped3A : memref<!tpu.dma_semaphore, #tpu.memory_space<semaphore_mem>>)
      tpu.wait_dma2 semaphore(%run_scoped3A : memref<!tpu.dma_semaphore, #tpu.memory_space<semaphore_mem>>) src(%arg6 : memref<16x16xf32, #tpu.memory_space<hbm>>) dst(%arg15 : memref<16x16xf32, #tpu.memory_space<vmem>>)
      tpu.yield
    }) : () -> ()
    %dma_wait3A = tpu.memref_slice %arg2[%mul3A_2] : memref<32768xf32, #tpu.memory_space<hbm>> -> memref<1024xf32, #tpu.memory_space<hbm>>
    %dma_wait3A_373 = tpu.memref_slice %arg2[%mul3A_2] : memref<32768xf32, #tpu.memory_space<hbm>> -> memref<1024xf32, #tpu.memory_space<hbm>>
    tpu.wait_dma2 semaphore(%arg16 : memref<!tpu.dma_semaphore, #tpu.memory_space<semaphore_mem>>) src(%dma_wait3A_373 : memref<1024xf32, #tpu.memory_space<hbm>>) dst(%arg10 : memref<1024xf32, #tpu.memory_space<vmem>>)
    %mul3A_374 = arith.constant 1024 : i32
    %mul3A_375 = arith.muli %arg0, %mul3A_374 : i32
    %broadcast_in_dim3A_376 = arith.constant 0 : i32
    %broadcast_in_dim3A_377 = vector.broadcast %broadcast_in_dim3A_376 : i32 to vector<16xi32>
    %scan3A_378 = arith.constant 0 : i32
    %scan3A_379 = arith.constant 0 : i32
    %scan3A_380 = arith.constant 8 : i32
    %scan3A_381 = arith.addi %scan3A_379, %scan3A_380 : i32
    %scan3A_382 = arith.constant 1 : i32
    scf.for %scan3A_384 = %scan3A_379 to %scan3A_381 step %scan3A_382  : i32 {
      %mul3A_385 = arith.constant 8 : i32
      %mul3A_386 = arith.muli %scan3A_384, %mul3A_385 : i32
      %add3A_387 = arith.constant 0 : i32
      %add3A_388 = arith.addi %mul3A_386, %add3A_387 : i32
      %mul3A_389 = arith.constant 16 : i32
      %mul3A_390 = arith.muli %add3A_388, %mul3A_389 : i32
      %get3A_391 = arith.index_cast %mul3A_390 : i32 to index
      %get3A_392 = tpu.vector_load %arg10[%get3A_391] {strides = array<i32>} : memref<1024xf32, #tpu.memory_space<vmem>>, vector<16xf32>,
      %add3A_393 = arith.addi %mul3A_375, %mul3A_390 : i32
      %get3A_394 = arith.index_cast %add3A_393 : i32 to index
      %get3A_395 = tpu.vector_load %arg7[%get3A_394] {strides = array<i32>} : memref<2048xi32, #tpu.memory_space<vmem>>, vector<16xi32>,
      %gather3A = tpu.vector_load_idx %arg15[%get3A_395, %broadcast_in_dim3A_377] : memref<16x16xf32, #tpu.memory_space<vmem>>[vector<16xi32>, vector<16xi32>], vector<16xf32>,
      %sub3A_396 = arith.subf %get3A_392, %gather3A : vector<16xf32>
      %max3A = arith.constant 0.000000e+00 : f32
      %max3A_397 = vector.broadcast %max3A : f32 to vector<16xf32>
      %max3A_398 = arith.maximumf %sub3A_396, %max3A_397 : vector<16xf32>
      %swap3A_399 = arith.index_cast %mul3A_390 : i32 to index
      %swap3A_400 = tpu.vector_load %arg11[%swap3A_399] {strides = array<i32>} : memref<1024xf32, #tpu.memory_space<vmem>>, vector<16xf32>,
      tpu.vector_store %arg11[%swap3A_399], %max3A_398 {strides = array<i32>} : memref<1024xf32, #tpu.memory_space<vmem>>, vector<16xf32>,
      %mul3A_401 = arith.constant 8 : i32
      %mul3A_402 = arith.muli %scan3A_384, %mul3A_401 : i32
      %add3A_403 = arith.constant 1 : i32
      %add3A_404 = arith.addi %mul3A_402, %add3A_403 : i32
      %mul3A_405 = arith.constant 16 : i32
      %mul3A_406 = arith.muli %add3A_404, %mul3A_405 : i32
      %get3A_407 = arith.index_cast %mul3A_406 : i32 to index
      %get3A_408 = tpu.vector_load %arg10[%get3A_407] {strides = array<i32>} : memref<1024xf32, #tpu.memory_space<vmem>>, vector<16xf32>,
      %add3A_409 = arith.addi %mul3A_375, %mul3A_406 : i32
      %get3A_410 = arith.index_cast %add3A_409 : i32 to index
      %get3A_411 = tpu.vector_load %arg7[%get3A_410] {strides = array<i32>} : memref<2048xi32, #tpu.memory_space<vmem>>, vector<16xi32>,
      %gather3A_412 = tpu.vector_load_idx %arg15[%get3A_411, %broadcast_in_dim3A_377] : memref<16x16xf32, #tpu.memory_space<vmem>>[vector<16xi32>, vector<16xi32>], vector<16xf32>,
      %sub3A_413 = arith.subf %get3A_408, %gather3A_412 : vector<16xf32>
      %max3A_414 = arith.constant 0.000000e+00 : f32
      %max3A_415 = vector.broadcast %max3A_414 : f32 to vector<16xf32>
      %max3A_416 = arith.maximumf %sub3A_413, %max3A_415 : vector<16xf32>
      %swap3A_417 = arith.index_cast %mul3A_406 : i32 to index
      %swap3A_418 = tpu.vector_load %arg11[%swap3A_417] {strides = array<i32>} : memref<1024xf32, #tpu.memory_space<vmem>>, vector<16xf32>,
      tpu.vector_store %arg11[%swap3A_417], %max3A_416 {strides = array<i32>} : memref<1024xf32, #tpu.memory_space<vmem>>, vector<16xf32>,
      %mul3A_419 = arith.constant 8 : i32
      %mul3A_420 = arith.muli %scan3A_384, %mul3A_419 : i32
      %add3A_421 = arith.constant 2 : i32
      %add3A_422 = arith.addi %mul3A_420, %add3A_421 : i32
      %mul3A_423 = arith.constant 16 : i32
      %mul3A_424 = arith.muli %add3A_422, %mul3A_423 : i32
      %get3A_425 = arith.index_cast %mul3A_424 : i32 to index
      %get3A_426 = tpu.vector_load %arg10[%get3A_425] {strides = array<i32>} : memref<1024xf32, #tpu.memory_space<vmem>>, vector<16xf32>,
      %add3A_427 = arith.addi %mul3A_375, %mul3A_424 : i32
      %get3A_428 = arith.index_cast %add3A_427 : i32 to index
      %get3A_429 = tpu.vector_load %arg7[%get3A_428] {strides = array<i32>} : memref<2048xi32, #tpu.memory_space<vmem>>, vector<16xi32>,
      %gather3A_430 = tpu.vector_load_idx %arg15[%get3A_429, %broadcast_in_dim3A_377] : memref<16x16xf32, #tpu.memory_space<vmem>>[vector<16xi32>, vector<16xi32>], vector<16xf32>,
      %sub3A_431 = arith.subf %get3A_426, %gather3A_430 : vector<16xf32>
      %max3A_432 = arith.constant 0.000000e+00 : f32
      %max3A_433 = vector.broadcast %max3A_432 : f32 to vector<16xf32>
      %max3A_434 = arith.maximumf %sub3A_431, %max3A_433 : vector<16xf32>
      %swap3A_435 = arith.index_cast %mul3A_424 : i32 to index
      %swap3A_436 = tpu.vector_load %arg11[%swap3A_435] {strides = array<i32>} : memref<1024xf32, #tpu.memory_space<vmem>>, vector<16xf32>,
      tpu.vector_store %arg11[%swap3A_435], %max3A_434 {strides = array<i32>} : memref<1024xf32, #tpu.memory_space<vmem>>, vector<16xf32>,
      %mul3A_437 = arith.constant 8 : i32
      %mul3A_438 = arith.muli %scan3A_384, %mul3A_437 : i32
      %add3A_439 = arith.constant 3 : i32
      %add3A_440 = arith.addi %mul3A_438, %add3A_439 : i32
      %mul3A_441 = arith.constant 16 : i32
      %mul3A_442 = arith.muli %add3A_440, %mul3A_441 : i32
      %get3A_443 = arith.index_cast %mul3A_442 : i32 to index
      %get3A_444 = tpu.vector_load %arg10[%get3A_443] {strides = array<i32>} : memref<1024xf32, #tpu.memory_space<vmem>>, vector<16xf32>,
      %add3A_445 = arith.addi %mul3A_375, %mul3A_442 : i32
      %get3A_446 = arith.index_cast %add3A_445 : i32 to index
      %get3A_447 = tpu.vector_load %arg7[%get3A_446] {strides = array<i32>} : memref<2048xi32, #tpu.memory_space<vmem>>, vector<16xi32>,
      %gather3A_448 = tpu.vector_load_idx %arg15[%get3A_447, %broadcast_in_dim3A_377] : memref<16x16xf32, #tpu.memory_space<vmem>>[vector<16xi32>, vector<16xi32>], vector<16xf32>,
      %sub3A_449 = arith.subf %get3A_444, %gather3A_448 : vector<16xf32>
      %max3A_450 = arith.constant 0.000000e+00 : f32
      %max3A_451 = vector.broadcast %max3A_450 : f32 to vector<16xf32>
      %max3A_452 = arith.maximumf %sub3A_449, %max3A_451 : vector<16xf32>
      %swap3A_453 = arith.index_cast %mul3A_442 : i32 to index
      %swap3A_454 = tpu.vector_load %arg11[%swap3A_453] {strides = array<i32>} : memref<1024xf32, #tpu.memory_space<vmem>>, vector<16xf32>,
      tpu.vector_store %arg11[%swap3A_453], %max3A_452 {strides = array<i32>} : memref<1024xf32, #tpu.memory_space<vmem>>, vector<16xf32>,
      %mul3A_455 = arith.constant 8 : i32
      %mul3A_456 = arith.muli %scan3A_384, %mul3A_455 : i32
      %add3A_457 = arith.constant 4 : i32
      %add3A_458 = arith.addi %mul3A_456, %add3A_457 : i32
      %mul3A_459 = arith.constant 16 : i32
      %mul3A_460 = arith.muli %add3A_458, %mul3A_459 : i32
      %get3A_461 = arith.index_cast %mul3A_460 : i32 to index
      %get3A_462 = tpu.vector_load %arg10[%get3A_461] {strides = array<i32>} : memref<1024xf32, #tpu.memory_space<vmem>>, vector<16xf32>,
      %add3A_463 = arith.addi %mul3A_375, %mul3A_460 : i32
      %get3A_464 = arith.index_cast %add3A_463 : i32 to index
      %get3A_465 = tpu.vector_load %arg7[%get3A_464] {strides = array<i32>} : memref<2048xi32, #tpu.memory_space<vmem>>, vector<16xi32>,
      %gather3A_466 = tpu.vector_load_idx %arg15[%get3A_465, %broadcast_in_dim3A_377] : memref<16x16xf32, #tpu.memory_space<vmem>>[vector<16xi32>, vector<16xi32>], vector<16xf32>,
      %sub3A_467 = arith.subf %get3A_462, %gather3A_466 : vector<16xf32>
      %max3A_468 = arith.constant 0.000000e+00 : f32
      %max3A_469 = vector.broadcast %max3A_468 : f32 to vector<16xf32>
      %max3A_470 = arith.maximumf %sub3A_467, %max3A_469 : vector<16xf32>
      %swap3A_471 = arith.index_cast %mul3A_460 : i32 to index
      %swap3A_472 = tpu.vector_load %arg11[%swap3A_471] {strides = array<i32>} : memref<1024xf32, #tpu.memory_space<vmem>>, vector<16xf32>,
      tpu.vector_store %arg11[%swap3A_471], %max3A_470 {strides = array<i32>} : memref<1024xf32, #tpu.memory_space<vmem>>, vector<16xf32>,
      %mul3A_473 = arith.constant 8 : i32
      %mul3A_474 = arith.muli %scan3A_384, %mul3A_473 : i32
      %add3A_475 = arith.constant 5 : i32
      %add3A_476 = arith.addi %mul3A_474, %add3A_475 : i32
      %mul3A_477 = arith.constant 16 : i32
      %mul3A_478 = arith.muli %add3A_476, %mul3A_477 : i32
      %get3A_479 = arith.index_cast %mul3A_478 : i32 to index
      %get3A_480 = tpu.vector_load %arg10[%get3A_479] {strides = array<i32>} : memref<1024xf32, #tpu.memory_space<vmem>>, vector<16xf32>,
      %add3A_481 = arith.addi %mul3A_375, %mul3A_478 : i32
      %get3A_482 = arith.index_cast %add3A_481 : i32 to index
      %get3A_483 = tpu.vector_load %arg7[%get3A_482] {strides = array<i32>} : memref<2048xi32, #tpu.memory_space<vmem>>, vector<16xi32>,
      %gather3A_484 = tpu.vector_load_idx %arg15[%get3A_483, %broadcast_in_dim3A_377] : memref<16x16xf32, #tpu.memory_space<vmem>>[vector<16xi32>, vector<16xi32>], vector<16xf32>,
      %sub3A_485 = arith.subf %get3A_480, %gather3A_484 : vector<16xf32>
      %max3A_486 = arith.constant 0.000000e+00 : f32
      %max3A_487 = vector.broadcast %max3A_486 : f32 to vector<16xf32>
      %max3A_488 = arith.maximumf %sub3A_485, %max3A_487 : vector<16xf32>
      %swap3A_489 = arith.index_cast %mul3A_478 : i32 to index
      %swap3A_490 = tpu.vector_load %arg11[%swap3A_489] {strides = array<i32>} : memref<1024xf32, #tpu.memory_space<vmem>>, vector<16xf32>,
      tpu.vector_store %arg11[%swap3A_489], %max3A_488 {strides = array<i32>} : memref<1024xf32, #tpu.memory_space<vmem>>, vector<16xf32>,
      %mul3A_491 = arith.constant 8 : i32
      %mul3A_492 = arith.muli %scan3A_384, %mul3A_491 : i32
      %add3A_493 = arith.constant 6 : i32
      %add3A_494 = arith.addi %mul3A_492, %add3A_493 : i32
      %mul3A_495 = arith.constant 16 : i32
      %mul3A_496 = arith.muli %add3A_494, %mul3A_495 : i32
      %get3A_497 = arith.index_cast %mul3A_496 : i32 to index
      %get3A_498 = tpu.vector_load %arg10[%get3A_497] {strides = array<i32>} : memref<1024xf32, #tpu.memory_space<vmem>>, vector<16xf32>,
      %add3A_499 = arith.addi %mul3A_375, %mul3A_496 : i32
      %get3A_500 = arith.index_cast %add3A_499 : i32 to index
      %get3A_501 = tpu.vector_load %arg7[%get3A_500] {strides = array<i32>} : memref<2048xi32, #tpu.memory_space<vmem>>, vector<16xi32>,
      %gather3A_502 = tpu.vector_load_idx %arg15[%get3A_501, %broadcast_in_dim3A_377] : memref<16x16xf32, #tpu.memory_space<vmem>>[vector<16xi32>, vector<16xi32>], vector<16xf32>,
      %sub3A_503 = arith.subf %get3A_498, %gather3A_502 : vector<16xf32>
      %max3A_504 = arith.constant 0.000000e+00 : f32
      %max3A_505 = vector.broadcast %max3A_504 : f32 to vector<16xf32>
      %max3A_506 = arith.maximumf %sub3A_503, %max3A_505 : vector<16xf32>
      %swap3A_507 = arith.index_cast %mul3A_496 : i32 to index
      %swap3A_508 = tpu.vector_load %arg11[%swap3A_507] {strides = array<i32>} : memref<1024xf32, #tpu.memory_space<vmem>>, vector<16xf32>,
      tpu.vector_store %arg11[%swap3A_507], %max3A_506 {strides = array<i32>} : memref<1024xf32, #tpu.memory_space<vmem>>, vector<16xf32>,
      %mul3A_509 = arith.constant 8 : i32
      %mul3A_510 = arith.muli %scan3A_384, %mul3A_509 : i32
      %add3A_511 = arith.constant 7 : i32
      %add3A_512 = arith.addi %mul3A_510, %add3A_511 : i32
      %mul3A_513 = arith.constant 16 : i32
      %mul3A_514 = arith.muli %add3A_512, %mul3A_513 : i32
      %get3A_515 = arith.index_cast %mul3A_514 : i32 to index
      %get3A_516 = tpu.vector_load %arg10[%get3A_515] {strides = array<i32>} : memref<1024xf32, #tpu.memory_space<vmem>>, vector<16xf32>,
      %add3A_517 = arith.addi %mul3A_375, %mul3A_514 : i32
      %get3A_518 = arith.index_cast %add3A_517 : i32 to index
      %get3A_519 = tpu.vector_load %arg7[%get3A_518] {strides = array<i32>} : memref<2048xi32, #tpu.memory_space<vmem>>, vector<16xi32>,
      %gather3A_520 = tpu.vector_load_idx %arg15[%get3A_519, %broadcast_in_dim3A_377] : memref<16x16xf32, #tpu.memory_space<vmem>>[vector<16xi32>, vector<16xi32>], vector<16xf32>,
      %sub3A_521 = arith.subf %get3A_516, %gather3A_520 : vector<16xf32>
      %max3A_522 = arith.constant 0.000000e+00 : f32
      %max3A_523 = vector.broadcast %max3A_522 : f32 to vector<16xf32>
      %max3A_524 = arith.maximumf %sub3A_521, %max3A_523 : vector<16xf32>
      %swap3A_525 = arith.index_cast %mul3A_514 : i32 to index
      %swap3A_526 = tpu.vector_load %arg11[%swap3A_525] {strides = array<i32>} : memref<1024xf32, #tpu.memory_space<vmem>>, vector<16xf32>,
      tpu.vector_store %arg11[%swap3A_525], %max3A_524 {strides = array<i32>} : memref<1024xf32, #tpu.memory_space<vmem>>, vector<16xf32>,
    }
    %scan3A_383 = arith.constant 8 : i32
    "tpu.region"() ({
      %run_scoped3A = tpu.sem_alloc : memref<!tpu.dma_semaphore, #tpu.memory_space<semaphore_mem>>
      %dma_start3A_384 = tpu.memref_slice %arg4[%mul3A_2] : memref<32768xf32, #tpu.memory_space<hbm>> -> memref<1024xf32, #tpu.memory_space<hbm>>
      %dma_start3A_385 = tpu.memref_slice %arg4[%mul3A_2] : memref<32768xf32, #tpu.memory_space<hbm>> -> memref<1024xf32, #tpu.memory_space<hbm>>
      tpu.enqueue_dma source(%arg11 : memref<1024xf32, #tpu.memory_space<vmem>>) target(%dma_start3A_385 : memref<1024xf32, #tpu.memory_space<hbm>>) target_semaphore(%run_scoped3A : memref<!tpu.dma_semaphore, #tpu.memory_space<semaphore_mem>>)
      %dma_wait3A_386 = tpu.memref_slice %arg4[%mul3A_2] : memref<32768xf32, #tpu.memory_space<hbm>> -> memref<1024xf32, #tpu.memory_space<hbm>>
      %dma_wait3A_387 = tpu.memref_slice %arg4[%mul3A_2] : memref<32768xf32, #tpu.memory_space<hbm>> -> memref<1024xf32, #tpu.memory_space<hbm>>
      tpu.wait_dma2 semaphore(%run_scoped3A : memref<!tpu.dma_semaphore, #tpu.memory_space<semaphore_mem>>) src(%arg11 : memref<1024xf32, #tpu.memory_space<vmem>>) dst(%dma_wait3A_387 : memref<1024xf32, #tpu.memory_space<hbm>>)
      tpu.yield
    }) : () -> ()
    return
  }
}

</mosaic_0001>

<sc_bundles>
// kernel: kernel.3.cloned.1.call-start
scs
__scs_entry_jumppad:
0x0: {  	(pc) =	sbr.rel $0x88, $3  }
0x1: {  	(tag) =	ssettag $0x0;
	lr =	simm.s32 $0x1  }
0x2: {  	[smem:$0x3F9F] =	sst lr;
	_ =	strace $0xD0000000  }
0x3: {  	_ = 	snop  }
0x4: {  	_ = 	snop  }
0x5: {  	_ = 	snop  }
0x6: {  	_ = 	snop  }
0x7: {  	_ = 	snop  }
__scs_overlays_trampoline_lowered:
0x8: {  	[smem:$0x3FAE] =	sst s0  }
0x9: {  	[smem:$0x3FAF] =	sst s1  }
0xa: {  	[smem:$0x3FB0] =	sst s2  }
0xb: {  	[smem:$0x3FB1] =	sst s3  }
0xc: {  	[smem:$0x3FB2] =	sst s4  }
0xd: {  	[smem:$0x3FB3] =	sst s5  }
0xe: {  	[smem:$0x3FB4] =	sst s6  }
0xf: {  	[smem:$0x3FB5] =	sst s7  }
0x10: {  	[smem:$0x3FB6] =	sst s8  }
0x11: {  	[smem:$0x3FB7] =	sst s9;
	s0 =	simm.s32 @!p0 $0x0  }
0x12: {  	s1 =	sld [smem:$0x3F9D];
	s0 =	simm.s32 @p0 $0x1  }
0x13: {  	[smem:$0x3FB8] =	sst s0;
	s0 =	simm.s32 @!p1 $0x0  }
0x14: {  	s2 =	sld [smem:$0x3F9C];
	s0 =	simm.s32 @p1 $0x1  }
0x15: {  	[smem:$0x3FB9] =	sst s0;
	s0 =	simm.s32 @!p2 $0x0  }
0x16: {  	s3 =	sld [smem:$0x3FDB];
	s0 =	simm.s32 @p2 $0x1  }
0x17: {  	s4 =	simm.s32 $0x1BF5;
	[smem:$0x3FBB] =	sst s0  }
0x18: {  	s0 =	sld [smem:$0x3F9E];
	_ =	swait.ge [sflag:s4], $0x0  }
0x19: {  	s7 =	sld [smem:$0x3F9F]  }
0x1a: {  	s8 =	sadd.s32 $0xFFFFE003, lr  }
0x1b: {  	s9 =	sadd.s32 $0xFFFFFEF7, lr;
	s5 =	simm.s32 $0xFFFFFFFF;
	p2 =	slt.u32 s8, $0xFFFFF086  }
0x1c: {  	p1 =	slt.u32 s9, $0xF7A;
	s5 =	simm.s32 @!p2 $0x0  }
0x1d: {  	s5 =	simm.s32 @p1 $0x1;
	p0 =	seq.s32 s7, s2  }
0x1e: {  	s7 =	smul.u32 @!p0 $0xF7A, s2;
	p2 =	seq.s32 @!p0 s5, $0x0  }
0x1f: {  	s9 =	smul.u32 $0xF7A, s1;
	s8 =	simm.s32 @!p0 $0x1BF5;
	p2 =	por !p2, p0  }
0x20: {  	[sflag:s8] =	ssyncset.s32 @!p0 $0xFFFFF086;
	s6 =	sadd.s32 @!p0 s3, s7;
	s7 =	simm.s32 @!p0 $0x108  }
0x21: {  	s3 =	sadd.s32 s3, s9;
	s6 =	sadd.s32 @!p0 $0x88, s6;
	s7 =	simm.s32 @p2 $0x1082  }
0x22: {  	[simem:s7], [sflag:s8] =	dma.local @!p0 [hbm:s6], $0xF7A  }
0x23: {  	s9 =	sor.u32 $0xD0000000, s2;
	s6 =	simm.s32 $0x108;
	_ =	swait.ge @!p0 [sflag:s8], $0x0  }
0x24: {  	s3 =	sadd.s32 $0x88, s3;
	s6 =	simm.s32 @!p1 $0x1082;
	[sflag:s4] =	ssyncset.s32 $0xFFFFF086  }
0x25: {  	[simem:s6], [sflag:s4] =	dma.local [hbm:s3], $0xF7A  }
0x26: {  	[smem:$0x3F9F] =	sst s1;
	(tag) =	ssettag s2;
	_ =	strace s9  }
0x27: {  	s1 =	sld [smem:$0x3FAF]  }
0x28: {  	s2 =	sld [smem:$0x3FB0]  }
0x29: {  	s4 =	sld [smem:$0x3FB2]  }
0x2a: {  	p0 =	seq.s32 s5, $0x0;
	s5 =	sld [smem:$0x3FB3]  }
0x2b: {  	s6 =	sld [smem:$0x3FB4]  }
0x2c: {  	s7 =	sld [smem:$0x3FB5]  }
0x2d: {  	s3 =	simm.s32 $0x108;
	s8 =	sld [smem:$0x3FB6]  }
0x2e: {  	s3 =	simm.s32 @!p0 $0x1082;
	s9 =	sld [smem:$0x3FB7]  }
0x2f: {  	lr =	sadd.s32 s0, s3;
	s0 =	sld [smem:$0x3FAE]  }
0x30: {  	s3 =	sld [smem:$0x3FB1]  }
0x31: {  	[smem:$0x3FBA] =	sst s10  }
0x32: {  	s10 =	sld [smem:$0x3FB8];
	_ =	sdelay $0x3  }
0x33: {  	p0 =	seq.s32 s10, $0x1;
	s10 =	sld [smem:$0x3FBA];
	_ =	sdelay $0x3  }
0x34: {  	[smem:$0x3FBA] =	sst s10  }
0x35: {  	s10 =	sld [smem:$0x3FB9];
	_ =	sdelay $0x3  }
0x36: {  	p1 =	seq.s32 s10, $0x1;
	s10 =	sld [smem:$0x3FBA];
	_ =	sdelay $0x3  }
0x37: {  	[smem:$0x3FBA] =	sst s10  }
0x38: {  	s10 =	sld [smem:$0x3FBB]  }
0x39: {  	_ = 	snop;
	(pc) =	sbr.ind lr, $3  }
0x3a: {  	_ = 	snop  }
0x3b: {  	_ = 	snop  }
0x3c: {  	p2 =	seq.s32 s10, $0x1;
	s10 =	sld [smem:$0x3FBA]  }
0x3d: {  	_ =	shalt  }
0x3e: {  	_ =	shalt  }
0x3f: {  	_ =	shalt  }
0x40: {  	_ =	shalt  }
0x41: {  	_ =	shalt  }
0x42: {  	_ =	shalt  }
0x43: {  	_ =	shalt  }
0x44: {  	_ =	shalt  }
0x45: {  	_ =	shalt  }
0x46: {  	_ =	shalt  }
0x47: {  	_ =	shalt  }
0x48: {  	_ =	shalt  }
0x49: {  	_ =	shalt  }
0x4a: {  	_ =	shalt  }
0x4b: {  	_ =	shalt  }
0x4c: {  	_ =	shalt  }
0x4d: {  	_ =	shalt  }
0x4e: {  	_ =	shalt  }
0x4f: {  	_ =	shalt  }
0x50: {  	_ =	shalt  }
0x51: {  	_ =	shalt  }
0x52: {  	_ =	shalt  }
0x53: {  	_ =	shalt  }
0x54: {  	_ =	shalt  }
0x55: {  	_ =	shalt  }
0x56: {  	_ =	shalt  }
0x57: {  	_ =	shalt  }
0x58: {  	_ =	shalt  }
0x59: {  	_ =	shalt  }
0x5a: {  	_ =	shalt  }
0x5b: {  	_ =	shalt  }
0x5c: {  	_ =	shalt  }
0x5d: {  	_ =	shalt  }
0x5e: {  	_ =	shalt  }
0x5f: {  	_ =	shalt  }
0x60: {  	_ =	shalt  }
0x61: {  	_ =	shalt  }
0x62: {  	_ =	shalt  }
0x63: {  	_ =	shalt  }
0x64: {  	_ =	shalt  }
0x65: {  	_ =	shalt  }
0x66: {  	_ =	shalt  }
0x67: {  	_ =	shalt  }
0x68: {  	_ =	shalt  }
0x69: {  	_ =	shalt  }
0x6a: {  	_ =	shalt  }
0x6b: {  	_ =	shalt  }
0x6c: {  	_ =	shalt  }
0x6d: {  	_ =	shalt  }
0x6e: {  	_ =	shalt  }
0x6f: {  	_ =	shalt  }
0x70: {  	_ =	shalt  }
0x71: {  	_ =	shalt  }
0x72: {  	_ =	shalt  }
0x73: {  	_ =	shalt  }
0x74: {  	_ =	shalt  }
0x75: {  	_ =	shalt  }
0x76: {  	_ =	shalt  }
0x77: {  	_ =	shalt  }
0x78: {  	_ =	shalt  }
0x79: {  	_ =	shalt  }
0x7a: {  	_ =	shalt  }
0x7b: {  	_ =	shalt  }
0x7c: {  	_ =	shalt  }
0x7d: {  	_ =	shalt  }
0x7e: {  	_ =	shalt  }
0x7f: {  	_ =	shalt  }
0x80: {  	_ =	shalt  }
0x81: {  	_ =	shalt  }
0x82: {  	_ =	shalt  }
0x83: {  	_ =	shalt  }
0x84: {  	_ =	shalt  }
0x85: {  	_ =	shalt  }
0x86: {  	_ =	shalt  }
0x87: {  	_ =	shalt  }
.Lfunc_end0:
.L_simem_size_0:
called_computation_lowered:
.L_overlay_start_0:
0x88: {  	s2 =	sld [smem:$0x3FD9]  }
0x89: {  	s3 =	sld [smem:$0x3FFE];
	_ =	sdelay $0x1  }
0x8a: {  	s1 =	srdreg.scid  }
0x8b: {  	s0 =	sand.u32 $0x1, s1  }
0x8c: {  	s17 =	sshll.u32 s0, $0xA;
	s2 =	sadd.s32 s3, s2  }
0x8d: {  	s2 =	sadd.s32 s2, s17  }
0x8e: {  	[smem:$0x3FC6] =	sst s2  }
0x8f: {  	_ = 	snop  }
0x90: {  	s2 =	sld [smem:$0x3FC9]  }
0x91: {  	s18 =	sld [smem:$0x3FC8]  }
0x92: {  	s4 =	sld [smem:$0x3FD0];
	(tm) =	ssettm $0x1  }
0x93: {  	s5 =	sld [smem:$0x3FFB];
	_ =	sdelay $0x3  }
0x94: {  	_ =	strace s5  }
0x95: {  	s5 =	sld [smem:$0x3FFC];
	_ =	sdelay $0x3  }
0x96: {  	_ =	strace s5  }
0x97: {  	s5 =	sld [smem:$0x3FFD];
	_ =	sdelay $0x3  }
0x98: {  	_ =	strace s5  }
0x99: {  	_ =	strace $0x8FFFFFFF  }
0x9a: {  	s19 =	sld [smem:$0x3FDB];
	_ =	sdelay $0x1  }
0x9b: {  	s6 =	simm.s32 $_scs_section_size  }
0x9c: {  	s7 =	simm.s32 $_size__tile_overlayer_lowered;
	s8 =	simm.s32 $_tile_overlayer_lowered  }
0x9d: {  	s22 =	simm.s32 $0x1BFF;
	s21 =	sshll.u32 s8, $0x1;
	s5 =	sadd.s32 s6, s19  }
0x9e: {  	s9 =	simm.s32 $0x0;
	s20 =	sshll.u32 s7, $0x1;
	s7 =	sadd.s32 s21, s5  }
0x9f: {  	[timem:s9], [sflag:s22] =	dma.local [hbm:s7], s20  }
0xa0: {  	_ =	swait.ge [sflag:s22], s20  }
0xa1: {  	s6 =	ssub.s32 $0x0, s20;
	[sflag:s22] =	ssyncset.done $0x0  }
0xa2: {  	[sflag:s22] =	ssyncadd.s32 s6;
	_ =	sdelay $0x1  }
0xa3: {  	s23 =	simm.s32 $0x1B8B  }
0xa4: {  	_ =	swait.ge [sflag:s23], $0x1  }
0xa5: {  	[sflag:s23] =	ssyncset.done $0x0  }
0xa6: {  	s25 =	simm.s32 $0x1B8E;
	s24 =	sld [smem:$0x3FFE];
	[sflag:s23] =	ssyncadd.s32 $0xFFFFFFFF  }
0xa7: {  	s26 =	simm.s32 $execute0_lowered;
	[smem:$0x3FD2] =	sst s25  }
0xa8: {  	s7 =	sshll.u32 s26, $0x1;
	_ =	strace $0x80000046;
	[dreg:$0x1] =	wrdreg $0xFFFFFFFF  }
0xa9: {  	s28 =	simm.s32 $_size_execute0_lowered;
	s5 =	sadd.s32 s5, s7;
	[dreg:$0x0] =	wrdreg $0x0  }
0xaa: {  	s7 =	sshll.u32 s28, $0x1;
	[dreg:$0x2] =	wrdreg s5  }
0xab: {  	[dreg:$0x3] =	wrdreg s7  }
0xac: {  	[dreg:$0x4] =	wrdreg $0xC0  }
0xad: {  	_ =	task [dreg:s9], $0x5FFFF  }
0xae: {  	[dreg:$0x1] =	wrdreg $0xFFFFFFFF  }
0xaf: {  	[dreg:$0x0] =	wrdreg $0x60  }
0xb0: {  	[dreg:$0x2] =	wrdreg s2  }
0xb1: {  	[dreg:$0x3] =	wrdreg s18  }
0xb2: {  	[dreg:$0x4] =	wrdreg s4  }
0xb3: {  	[dreg:$0x5] =	wrdreg s24  }
0xb4: {  	[dreg:$0x6] =	wrdreg $0x9  }
0xb5: {  	_ =	task.clear_ibuf [dreg:s9], $0x7FFFF;
	_ =	strace $0x90000046  }
0xb6: {  	s29 =	simm.s32 $0x9;
	_ =	strace $0x80000048  }
0xb7: {  	_ =	swait.ge [sflag:s29], $0x1  }
0xb8: {  	[sflag:s29] =	ssyncadd.s32 $0xFFFFFFFF  }
0xb9: {  	_ =	strace $0x90000048  }
0xba: {  	_ =	sfence  }
0xbb: {  	s30 =	sld [smem:$0x0];
	_ =	sdelay $0x2  }
0xbc: {  	s31 =	sshll.u32 s1, $0xD;
	s1 =	sshrl.u32 s1, $0x2  }
0xbd: {  	s3 =	sand.u32 $0x4000, s31;
	s1 =	sadd.s32 s1, s30  }
0xbe: {  	s0 =	sor.u32 s3, s0;
	s1 =	sshll.u32 s1, $0x11  }
0xbf: {  	s0 =	sor.u32 s1, s0  }
0xc0: {  	s0 =	sadd.s32 $0x8F2B, s0  }
0xc1: {  	[sflag:s0] =	ssyncadd.remote.s32 $0x1  }
0xc2: {  	_ =	sfence.sel $0xFFFF  }
0xc3: {  	[dreg:$0x0] =	wrdreg $0xFFFFFFFF;
	(pc) =	sbr.abs _section_cstart, $3  }
0xc4: {  	[dreg:$0x1] =	wrdreg $0xFFFFFFFF  }
0xc5: {  	_ =	task.clear_ibuf [dreg:s9], $0x2FFFF;
	_ =	strace $0x9FFFFFFF  }
0xc6: {  	(tm) =	ssettm $0x7FFFFFFF  }
0xc7: {  	_ =	shalt  }
tec
execute0_lowered:
.L_overlay_start_1:
0x0: {  	(tag) =	ssettag $0x1  }
0x1: {  	s1 =	rddreg [dreg:$0x0]  }
0x2: {  	s7 =	rddreg [dreg:$0x1]  }
0x3: {  	s0 =	rddreg [dreg:$0x2];
	s2 =	simm.s32 $0x0  }
0x4: {  	[smem:$0x7FF] =	sst s2  }
0x5: {  	s5 =	rddreg [dreg:$0x3];
	v0 =	vimm.f32 $-1.000000020e+30;
	_ =	strace $0x80000047  }
0x6: {  	(xrf0) =	vmax.scan.msk.f32 $0xffff, v0;
	_ =	sdelay $0x1  }
0x7: {  	v3 =	vimm.f32 $1.600000000e+01;
	vm0 =	vcmask $0x300  }
0x8: {  	s3 =	stileid.u32;
	v4 =	vimm.f32 $6.250000000e-02;
	vm1 =	vcmask $0x704;
	vm2 =	vcmask $0xB08  }
0x9: {  	s4 =	sadd.s32 $0x1, s3;
	v5 =	vmov s3;
	v3 =	vsel vm0, $0x3F800000, v3;
	v4 =	vsel vm0, $0x3F800000, v4  }
0xa: {  	v2 =	vmov s4;
	v3 =	vsel vm1, $0x40000000, v3;
	v4 =	vsel vm1, $0x3F000000, v4  }
0xb: {  	vm1 =	vcmask $0xF0C;
	v3 =	vsel vm2, $0x40400000, v3;
	v4 =	vsel vm2, $0x3EAAAAAB, v4;
	v1, _, _ =	vpop (xrf0)  }
0xc: {  	vm2 =	vcmask $0x1310;
	v3 =	vsel vm1, $0x40800000, v3;
	(v2sf) =	vpush v1, $0xF  }
0xd: {  	v4 =	vsel vm1, $0x3E800000, v4;
	vm1 =	vcmask $0x1714;
	v3 =	vsel vm2, $0x40A00000, v3  }
0xe: {  	v4 =	vsel vm2, $0x3E4CCCCD, v4;
	vm2 =	vcmask $0x1B18;
	v3 =	vsel vm1, $0x40C00000, v3  }
0xf: {  	v4 =	vsel vm1, $0x3E2AAAAB, v4;
	vm1 =	vcmask $0x1F1C;
	v3 =	vsel vm2, $0x40E00000, v3  }
0x10: {  	v4 =	vsel vm2, $0x3E124925, v4;
	vm2 =	vcmask $0x2320;
	v3 =	vsel vm1, $0x41000000, v3  }
0x11: {  	s28 =	srdreg.scid;
	s14 =	simm.s32 $0x3;
	v4 =	vsel vm1, $0x3E000000, v4;
	vm1 =	vcmask $0x2724;
	v3 =	vsel vm2, $0x41100000, v3  }
0x12: {  	s15 =	simm.s32 $0x11100;
	s16 =	simm.s32 $0x11180;
	s17 =	simm.s32 $0x1;
	v4 =	vsel vm2, $0x3DE38E39, v4;
	vm2 =	vcmask $0x2B28;
	v3 =	vsel vm1, $0x41200000, v3  }
0x13: {  	s18 =	simm.s32 $0x2;
	s19 =	simm.s32 $0x11980;
	s20 =	simm.s32 $0x11A00;
	v4 =	vsel vm1, $0x3DCCCCCD, v4;
	vm1 =	vcmask $0x2F2C;
	v3 =	vsel vm2, $0x41300000, v3  }
0x14: {  	s21 =	simm.s32 $0x10D00;
	s22 =	simm.s32 $0x0;
	s8 =	sshll.u32 s3, $0xB;
	v4 =	vsel vm2, $0x3DBA2E8C, v4;
	vm2 =	vcmask $0x3330;
	v3 =	vsel vm1, $0x41400000, v3  }
0x15: {  	s29 =	sshll.u32 s3, $0x8;
	s30 =	sshll.u32 s3, $0x4;
	s4 =	sand.u32 $0x1, s28;
	v4 =	vsel vm1, $0x3DAAAAAB, v4;
	vm1 =	vcmask $0x3734;
	v3 =	vsel vm2, $0x41500000, v3  }
0x16: {  	p0 =	seq.s32 s3, $0xF;
	s7 =	sadd.s32 s7, s29;
	s13 =	sshll.u32 s4, $0xA;
	v4 =	vsel vm2, $0x3D9D89D9, v4;
	vm2 =	vcmask $0x3B38;
	v3 =	vsel vm1, $0x41600000, v3  }
0x17: {  	s6 =	ssub.s32 $0x2, s4;
	s4 =	sadd.s32 $0x800, s5;
	s31 =	sor.u32 $0x40, s13;
	v1 =	vlaneseq.u32;
	v4 =	vsel vm1, $0x3D924925, v4;
	v3 =	vsel vm2, $0x41700000, v3  }
0x18: {  	s5 =	sadd.s32 $0xA00, s5;
	s9 =	sshrl.u32 s6, $0x1;
	s8 =	sor.u32 s13, s8;
	v4 =	vsel vm2, $0x3D888889, v4;
	vm2 =	veq.s32 v5, v1;
	v5 =	vmov s31  }
0x19: {  	s13 =	simm.s32 $0x10900;
	s11 =	ssub.s32 s6, s9;
	s10 =	sshrl.u32 s8, $0x3  }
0x1a: {  	s8 =	sadd.s32 s4, s30;
	s9 =	sadd.s32 s5, s30;
	s6 =	sadd.s32 s1, s10  }
0x1b: {  	s10 =	sadd.s32 s0, s10;
	s11 =	smax.u32 s11, $0x1;
	vm1 =	veq.s32 v2, v1;
	v2 =	vimm.s32 $0x0;
	s12 =	spop (v2sf)  }
.LBB2_1:
0x1c: {  	[tilespmem:s13], [sflag:$0x1] =	stream.linear.gather [hbm4b:s6+s2], $0x400, $0x38;
	[tilespmem:$0x12200] =	vst v63  }
0x1d: {  	_ = 	snop  }
0x1e: {  	[tilespmem:s2], [sflag:$0x3] =	stream.linear.gather [hbm4b:s7+s2], $0x800, $0x38;
	[tilespmem:$0x12200] =	vst v63  }
0x1f: {  	_ =	swait.ge [sflag:s14], $0x800  }
0x20: {  	v7 =	vimm.s32 $0x800;
	[sflag:s14] =	ssyncset.done $0x0  }
0x21: {  	s0 =	simm.s32 $0xB;
	v6 =	vimm.s32 $0x0;
	v8 =	vadd.s32 v2, v7;
	[sflag:s14] =	ssyncadd.s32 $0xFFFFF800  }
.LBB2_2:
0x22: {  	p1 =	sne.s32 s0, $0x1;
	v9 =	vand.u32 $0x1, v8  }
0x23: {  	v10 =	vshrl.u32 v8, $0x1F;
	vm3 =	vlt.s32 v8, $0x1;
	vm4 =	veq.s32 v9, $0x1  }
0x24: {  	v8 =	vadd.s32 v10, v8;
	vm3 =	vmand vm3, vm4  }
0x25: {  	v8 =	vshra.s32 v8, $0x1;
	v9 =	vsel vm3, $0xFFFFFFFF, v2  }
0x26: {  	v8 =	vadd.s32 v9, v8  }
0x27: {  	vm3 =	vlt.s32 v8, $0x7FF  }
0x28: {  	v8 =	vnsel vm3, $0x7FF, v8  }
0x29: {  	v9 =	vadd.s32 $0x1, v8;
	_ =	sdelay $0x3  }
0x2a: {  	v10 =	vld.idx.msk [tilespmem:v8+s2+$0x0], $0xffff;
	_ =	sdelay $0x4  }
.Ltmp0:
0x2b: {  	(pc) =	sbr.rel @p1 .LBB2_2-.Ltmp0, $4  }
0x2c: {  	vm3 =	vlt.s32 v6, v7;
	vm4 =	vge.s32 v10, v1;
	vm5 =	vlt.s32 v10, v1  }
0x2d: {  	vm5 =	vmand vm3, vm5;
	vm3 =	vmand vm3, vm4  }
0x2e: {  	v6 =	vsel vm5, v9, v6;
	v7 =	vsel vm3, v8, v7  }
0x2f: {  	s0 =	sadd.s32 $0xFFFFFFFF, s0;
	v8 =	vadd.s32 v6, v7  }
0x30: {  	v9 =	vand.u32 $0x1, v8  }
0x31: {  	v10 =	vshrl.u32 v8, $0x1F;
	vm3 =	vlt.s32 v8, $0x1;
	vm4 =	veq.s32 v9, $0x1  }
0x32: {  	v50 =	vadd.s32 v10, v8;
	vm3 =	vmand vm3, vm4  }
0x33: {  	v8 =	vshra.s32 v50, $0x1;
	v51 =	vsel vm3, $0xFFFFFFFF, v2  }
0x34: {  	v8 =	vadd.s32 v51, v8  }
0x35: {  	vm3 =	vlt.s32 v8, $0x7FF  }
0x36: {  	v8 =	vnsel vm3, $0x7FF, v8;
	_ =	sdelay $0x4  }
0x37: {  	v52 =	vld.idx.msk [tilespmem:v8+s2+$0x0], $0xffff;
	_ =	sdelay $0x4  }
0x38: {  	vm3 =	vlt.s32 v6, v7;
	vm15 =	vlt.s32 v52, v1  }
0x39: {  	v7 =	vadd.s32 $0x1, v8;
	vm3 =	vmand vm3, vm15  }
0x3a: {  	v6 =	vsel vm3, v7, v6  }
0x3b: {  	[tilespmem:$0x11100] =	vst v6  }
0x3c: {  	[hbm4b:s8+s2] =	stream.linear.scatter [tilespmem:s15], [sflag:$0x3], $0x80, $0x38;
	[tilespmem:$0x12200] =	vst v63  }
0x3d: {  	_ =	swait.ge [sflag:s14], $0x80  }
0x3e: {  	[sflag:s14] =	ssyncset.done $0x0  }
0x3f: {  	[sflag:s14] =	ssyncadd.s32 $0xFFFFFF80  }
0x40: {  	[bflag:$0x0] =	sbarrier.arrive $0xFFFF  }
0x41: {  	[tilespmem:s16], [sflag:$0x3] =	stream.linear.gather [hbm4b:s4+s2], $0x800, $0x38;
	[tilespmem:$0x12200] =	vst v63  }
0x42: {  	_ =	swait.ge [sflag:s14], $0x800  }
0x43: {  	[sflag:s14] =	ssyncset.done $0x0  }
0x44: {  	[sflag:s14] =	ssyncadd.s32 $0xFFFFF800  }
0x45: {  	v6 =	vld [tilespmem:$0x11180]  }
0x46: {  	v7 =	vld [tilespmem:$0x11200]  }
0x47: {  	v53 =	vld [tilespmem:$0x11280]  }
0x48: {  	v54 =	vld [tilespmem:$0x11300]  }
0x49: {  	v55 =	vld [tilespmem:$0x11380]  }
0x4a: {  	v11 =	vld [tilespmem:$0x11400]  }
0x4b: {  	v6 =	vadd.s32 v6, v7;
	v7 =	vld [tilespmem:$0x11480]  }
0x4c: {  	v56 =	vld [tilespmem:$0x11500];
	v6 =	vadd.s32 v53, v6  }
0x4d: {  	v57 =	vld [tilespmem:$0x11580];
	v6 =	vadd.s32 v54, v6  }
0x4e: {  	v58 =	vld [tilespmem:$0x11600];
	v6 =	vadd.s32 v55, v6  }
0x4f: {  	v59 =	vld [tilespmem:$0x11680];
	v6 =	vadd.s32 v11, v6  }
0x50: {  	v6 =	vadd.s32 v7, v6;
	v7 =	vld [tilespmem:$0x11700]  }
0x51: {  	v60 =	vld [tilespmem:$0x11780];
	v6 =	vadd.s32 v56, v6  }
0x52: {  	v61 =	vld [tilespmem:$0x11800];
	v6 =	vadd.s32 v57, v6  }
0x53: {  	v62 =	vld [tilespmem:$0x11880];
	v6 =	vadd.s32 v58, v6  }
0x54: {  	v63 =	vld [tilespmem:$0x11900];
	v6 =	vadd.s32 v59, v6  }
0x55: {  	v6 =	vadd.s32 v7, v6  }
0x56: {  	v6 =	vadd.s32 v60, v6  }
0x57: {  	v6 =	vadd.s32 v61, v6  }
0x58: {  	v6 =	vadd.s32 v62, v6  }
0x59: {  	v6 =	vadd.s32 v63, v6  }
0x5a: {  	v6 =	vcvt.s32.f32 v6;
	_ =	sdelay $0x1  }
0x5b: {  	v7 =	vnsel vm2, $0x0, v6  }
0x5c: {  	(xrf0) =	vmax.scan.msk.f32 $0xffff, v7;
	_ =	sdelay $0x2  }
0x5d: {  	v6 =	vnsel vm1, $0x0, v6;
	_ =	sdelay $0x2  }
0x5e: {  	(xrf0) =	vmax.scan.msk.f32 $0xffff, v6;
	v6, _, _ =	vpop (xrf0)  }
0x5f: {  	(v2sf) =	vpush v6, $0xF;
	_ =	sdelay $0x4  }
0x60: {  	v6, _, _ =	vpop (xrf0)  }
0x61: {  	(v2sf) =	vpush v6, $0xF;
	_ =	sdelay $0x8  }
0x62: {  	s0 =	spop (v2sf)  }
0x63: {  	s23 =	scvt.f32.s32 s0;
	_ =	sdelay $0x1  }
0x64: {  	s0 =	sand.u32 $0x7FF, s23  }
0x65: {  	s24 =	sshra.s32 s23, $0x1F;
	p1 =	slt.s32 s23, $0x1;
	p2 =	sne.s32 s0, $0x0  }
0x66: {  	s25 =	simm.s32 $0x1;
	s24 =	sshrl.u32 s24, $0x15;
	p1 =	por !p1, !p2  }
0x67: {  	s29 =	spop (v2sf);
	s24 =	sadd.s32 s24, s23;
	p1 =	por !p1, !p1  }
0x68: {  	s0 =	scvt.f32.s32 s29;
	s24 =	sshrl.u32 s24, $0xB;
	s25 =	simm.s32 @!p1 $0x0  }
0x69: {  	s24 =	ssub.s32 s24, s25  }
0x6a: {  	s0 =	simm.s32 @p0 $0x8000;
	s26 =	sshll.u32 s24, $0xB  }
0x6b: {  	s24 =	ssub.s32 s0, s26  }
0x6c: {  	s24 =	sadd.s32 $0x7FF, s24  }
0x6d: {  	s30 =	sand.u32 $0x7FF, s24  }
0x6e: {  	s31 =	sshra.s32 s24, $0x1F;
	p6 =	slt.s32 s24, $0x1;
	p5 =	sne.s32 s30, $0x0  }
0x6f: {  	s25 =	sshrl.u32 s31, $0x15;
	p1 =	por !p6, !p5  }
0x70: {  	s24 =	sadd.s32 s25, s24;
	s25 =	simm.s32 $0x1;
	p1 =	por !p1, !p1  }
0x71: {  	s24 =	sshra.s32 s24, $0xB;
	s25 =	simm.s32 @!p1 $0x0  }
0x72: {  	s25 =	ssub.s32 s24, s25  }
0x73: {  	p2 =	slt.s32 s25, $0x1  }
.Ltmp1:
0x74: {  	_ = 	snop;
	(pc) =	sbr.rel @p2 .LBB2_9-.Ltmp1, $4  }
0x75: {  	s24 =	sshll.u32 s25, $0xB  }
0x76: {  	s24 =	ssub.s32 $0x8000, s24  }
0x77: {  	p1 =	slt.s32 s26, s24  }
0x78: {  	s24 =	smov.u32 @p1 s26;
	s26 =	simm.s32 $0x800  }
0x79: {  	p1 =	sne.s32 s25, $0x1  }
.Ltmp2:
0x7a: {  	_ = 	snop;
	(pc) =	sbr.rel @!p1 .LBB2_6-.Ltmp2, $4  }
0x7b: {  	s28 =	sshrl.u32 s24, $0x3  }
0x7c: {  	s28 =	sadd.s32 s1, s28  }
0x7d: {  	[tilespmem:s26], [sflag:$0x2] =	stream.linear.gather [hbm4b:s28+s2], $0x800, $0x38;
	[tilespmem:$0x12200] =	vst v63  }
0x7e: {  	s29 =	sadd.s32 $0x800, s24;
	s28 =	sadd.s32 $0xFFFFFFFF, s25  }
.LBB2_5:
0x7f: {  	s30 =	sshrl.u32 s29, $0x3;
	p1 =	sne.s32 s28, $0x1;
	s28 =	sadd.s32 $0xFFFFFFFF, s28  }
.Ltmp3:
0x80: {  	s26 =	sadd.s32 $0x800, s26;
	s30 =	sadd.s32 s1, s30;
	(pc) =	sbr.rel @p1 .LBB2_5-.Ltmp3, $3  }
0x81: {  	[tilespmem:s26], [sflag:$0x2] =	stream.linear.gather [hbm4b:s30+s2], $0x800, $0x38;
	[tilespmem:$0x12200] =	vst v63  }
0x82: {  	_ =	sdelay $0x1  }
0x83: {  	s29 =	sadd.s32 $0x800, s29  }
.LBB2_6:
0x84: {  	p1 =	sne.s32 s25, $0x1  }
.Ltmp4:
0x85: {  	_ = 	snop;
	(pc) =	sbr.rel @!p1 .LBB2_8-.Ltmp4, $3  }
0x86: {  	_ =	sdelay $0x1  }
0x87: {  	_ =	swait.ge [sflag:s18], $0x800  }
0x88: {  	s25 =	sadd.s32 $0xFFFFFFFF, s25;
	[sflag:s18] =	ssyncset.done $0x0  }
.LBB2_7:
0x89: {  	p1 =	sne.s32 s25, $0x1;
	s25 =	sadd.s32 $0xFFFFFFFF, s25;
	[sflag:s18] =	ssyncadd.s32 $0xFFFFF800  }
.Ltmp5:
0x8a: {  	(pc) =	sbr.rel @p1 .LBB2_7-.Ltmp5, $3  }
0x8b: {  	_ =	sdelay $0x1  }
0x8c: {  	_ =	swait.ge [sflag:s18], $0x800  }
0x8d: {  	[sflag:s18] =	ssyncset.done $0x0  }
.LBB2_8:
0x8e: {  	[sflag:s18] =	ssyncadd.s32 $0xFFFFF800  }
.LBB2_9:
0x8f: {  	s30 =	ssub.s32 s23, s24;
	p1 =	sne.s32 s23, s24;
	s25 =	simm.s32 $0x1  }
0x90: {  	s3 =	sshra.s32 s30, $0x1F;
	s25 =	simm.s32 @!p1 $0x0  }
0x91: {  	s0 =	ssub.s32 s0, s24;
	s26 =	sshrl.u32 s3, $0x1C;
	s24 =	sor.u32 s25, s3  }
0x92: {  	s25 =	sand.u32 $0xF, s23;
	s31 =	sadd.s32 s26, s30;
	p4 =	sne.s32 s24, $0x1  }
0x93: {  	p2 =	sne.s32 s25, $0x0;
	s24 =	sadd.s32 $0xF, s0;
	s25 =	simm.s32 $0x1  }
0x94: {  	s26 =	simm.s32 $0x1;
	s23 =	sshra.s32 s31, $0x4;
	p1 =	por !p2, !p4  }
0x95: {  	s3 =	sand.u32 $0xF, s24;
	s28 =	sshra.s32 s24, $0x1F;
	p5 =	slt.s32 s24, $0x1  }
0x96: {  	p1 =	por !p1, !p1;
	p3 =	sne.s32 s3, $0x0;
	s31 =	sshrl.u32 s28, $0x1C  }
0x97: {  	s25 =	simm.s32 @!p1 $0x0;
	p6 =	por !p5, !p3;
	s24 =	sadd.s32 s31, s24  }
0x98: {  	p1 =	por !p6, !p6;
	s23 =	ssub.s32 s23, s25;
	s24 =	sshra.s32 s24, $0x4  }
0x99: {  	s26 =	simm.s32 @!p1 $0x0;
	s25 =	sshrl.u32 s23, $0x1D;
	p2 =	slt.s32 s23, $0x1  }
0x9a: {  	s24 =	ssub.s32 s24, s26;
	s25 =	sadd.s32 s25, s23;
	s23 =	sand.u32 $0x7, s23  }
0x9b: {  	s26 =	sadd.s32 $0x7, s24;
	p3 =	sne.s32 s23, $0x0  }
0x9c: {  	p5 =	slt.s32 s24, $0xFFFFFFFA;
	s3 =	sshra.s32 s25, $0x3;
	s28 =	sand.u32 $0x7, s26  }
0x9d: {  	s24 =	simm.s32 $0x1;
	p1 =	por !p2, !p3;
	p4 =	sne.s32 s28, $0x0  }
0x9e: {  	s31 =	sshrl.u32 s26, $0x1D;
	p1 =	por !p1, !p1;
	p6 =	por !p5, !p4  }
0x9f: {  	s25 =	sadd.s32 s31, s26;
	s26 =	simm.s32 $0x1;
	p2 =	por !p6, !p6  }
0xa0: {  	s24 =	simm.s32 @!p1 $0x0;
	s25 =	sshra.s32 s25, $0x3;
	s26 =	simm.s32 @!p2 $0x0  }
0xa1: {  	s29 =	ssub.s32 s3, s24;
	s28 =	ssub.s32 s25, s26  }
0xa2: {  	p1 =	sge.s32 s29, s28  }
.Ltmp6:
0xa3: {  	_ = 	snop;
	(pc) =	sbr.rel @p1 .LBB2_17-.Ltmp6, $2  }
0xa4: {  	_ =	sdelay $0x2  }
0xa5: {  	s23 =	simm.s32 $0x0;
	s24 =	simm.s32 $0x0;
	s26 =	smov.u32 s12  }
0xa6: {  	s24 =	sshll.u32 s29, $0x9  }
0xa7: {  	s24 =	sshra.s32 s24, $0x2  }
0xa8: {  	s24 =	sadd.s32 $0x840, s24  }
0xa9: {  	s25 =	sshll.u32 s29, $0x7;
	v8 =	vld [tilespmem:s24+$0xFFFFFFC0]  }
0xaa: {  	s25 =	sor.u32 $0x40, s25  }
0xab: {  	s26 =	sadd.s32 $0xFFFFFFC0, s25;
	v9 =	vld [tilespmem:s24+$0xFFFFFFD0]  }
0xac: {  	v6 =	vmov s30;
	v7 =	vmov s0;
	v10 =	vor.u32 s26, v1  }
0xad: {  	v11 =	vimm.f32 $-1.000000020e+30;
	s26 =	sadd.s32 $0xFFFFFFD0, s25;
	vm3 =	vge.s32 v10, v6;
	vm4 =	vlt.s32 v10, v7;
	v10 =	vld [tilespmem:s24+$0xFFFFFFE0]  }
0xae: {  	v12 =	vor.u32 s26, v1;
	vm3 =	vmand vm3, vm4;
	v8 =	vmax.f32 v11, v8  }
0xaf: {  	s3 =	sadd.s32 $0xFFFFFFE0, s25;
	vm4 =	vge.s32 v12, v6;
	vm5 =	vlt.s32 v12, v7;
	v8 =	vsel vm3, v8, v11;
	v11 =	vld [tilespmem:s24+$0xFFFFFFF0]  }
0xb0: {  	v12 =	vor.u32 s3, v1;
	vm9 =	vmand vm4, vm5;
	v9 =	vmax.f32 v8, v9  }
0xb1: {  	s26 =	sadd.s32 $0xFFFFFFF0, s25;
	vm4 =	vge.s32 v12, v6;
	vm5 =	vlt.s32 v12, v7;
	v8 =	vsel vm9, v9, v8;
	v9 =	vld [tilespmem:s24+$0x0]  }
0xb2: {  	v12 =	vor.u32 s26, v1;
	vm7 =	vmand vm4, vm5;
	v10 =	vmax.f32 v8, v10  }
0xb3: {  	s26 =	sadd.s32 $0x1, s29;
	vm4 =	vge.s32 v12, v6;
	vm5 =	vlt.s32 v12, v7;
	v8 =	vsel vm7, v10, v8  }
0xb4: {  	v12 =	vld [tilespmem:s24+$0x10];
	p1 =	slt.s32 s26, s28;
	vm8 =	vmand vm4, vm5;
	v10 =	vmax.f32 v8, v11  }
.Ltmp7:
0xb5: {  	v11 =	vor.u32 s25, v1;
	v8 =	vsel vm8, v10, v8;
	(pc) =	sbr.rel @!p1 .LBB2_12-.Ltmp7, $4  }
0xb6: {  	s3 =	sadd.s32 $0x10, s25;
	vm4 =	vge.s32 v11, v6;
	vm5 =	vlt.s32 v11, v7;
	v10 =	vmax.f32 v8, v9;
	v9 =	vld [tilespmem:s24+$0x20]  }
0xb7: {  	v11 =	vor.u32 s3, v1;
	vm4 =	vmand vm4, vm5  }
0xb8: {  	s30 =	sadd.s32 $0x20, s25;
	vm5 =	vge.s32 v11, v6;
	vm6 =	vlt.s32 v11, v7;
	v10 =	vsel vm4, v10, v8;
	v8 =	vld [tilespmem:s24+$0x30]  }
0xb9: {  	s31 =	smov.u32 s25;
	s0 =	sadd.s32 $0x80, s24;
	v11 =	vor.u32 s30, v1;
	vm10 =	vmand vm5, vm6;
	v12 =	vmax.f32 v10, v12  }
.LBB2_11:
0xba: {  	v13 =	vld [tilespmem:s0+$0xFFFFFFC0];
	s26 =	sadd.s32 $0x1, s26;
	v10 =	vsel vm10, v12, v10;
	vm10 =	vge.s32 v11, v6;
	vm11 =	vlt.s32 v11, v7;
	s3 =	sadd.s32 $0x30, s31  }
0xbb: {  	s31 =	sadd.s32 $0x80, s31;
	p1 =	slt.s32 s26, s28;
	vm10 =	vmand vm10, vm11;
	v9 =	vmax.f32 v10, v9;
	v11 =	vor.u32 s3, v1  }
0xbc: {  	s3 =	sadd.s32 $0xFFFFFFC0, s31;
	v12 =	vld [tilespmem:s0+$0xFFFFFFD0];
	v9 =	vsel vm10, v9, v10;
	vm10 =	vge.s32 v11, v6;
	vm11 =	vlt.s32 v11, v7  }
0xbd: {  	v10 =	vor.u32 s3, v1;
	vm10 =	vmand vm10, vm11;
	v8 =	vmax.f32 v9, v8  }
0xbe: {  	s3 =	sadd.s32 $0xFFFFFFD0, s31;
	vm11 =	vge.s32 v10, v6;
	vm12 =	vlt.s32 v10, v7;
	v10 =	vld [tilespmem:s0+$0xFFFFFFE0];
	v8 =	vsel vm10, v8, v9  }
0xbf: {  	v11 =	vor.u32 s3, v1;
	vm10 =	vmand vm11, vm12;
	v9 =	vmax.f32 v8, v13  }
0xc0: {  	s3 =	sadd.s32 $0xFFFFFFE0, s31;
	vm11 =	vlt.s32 v11, v7;
	v8 =	vsel vm10, v9, v8;
	vm10 =	vge.s32 v11, v6;
	v9 =	vld [tilespmem:s0+$0xFFFFFFF0]  }
0xc1: {  	vm10 =	vmand vm10, vm11;
	v11 =	vmax.f32 v8, v12;
	v12 =	vor.u32 s3, v1  }
0xc2: {  	s3 =	sadd.s32 $0xFFFFFFF0, s31;
	v8 =	vsel vm10, v11, v8;
	vm10 =	vge.s32 v12, v6;
	vm11 =	vlt.s32 v12, v7;
	v11 =	vld [tilespmem:s0+$0x0]  }
0xc3: {  	v12 =	vor.u32 s3, v1;
	vm10 =	vmand vm10, vm11;
	v10 =	vmax.f32 v8, v10  }
0xc4: {  	vm11 =	vlt.s32 v12, v7;
	v8 =	vsel vm10, v10, v8;
	vm10 =	vge.s32 v12, v6;
	v12 =	vld [tilespmem:s0+$0x10]  }
.Ltmp8:
0xc5: {  	v10 =	vor.u32 s31, v1;
	vm10 =	vmand vm10, vm11;
	v9 =	vmax.f32 v8, v9;
	(pc) =	sbr.rel @p1 .LBB2_11-.Ltmp8, $4  }
0xc6: {  	s3 =	sadd.s32 $0x10, s31;
	vm11 =	vlt.s32 v10, v7;
	v8 =	vsel vm10, v9, v8;
	vm10 =	vge.s32 v10, v6;
	v9 =	vld [tilespmem:s0+$0x20]  }
0xc7: {  	vm10 =	vmand vm10, vm11;
	v10 =	vmax.f32 v8, v11;
	v11 =	vor.u32 s3, v1  }
0xc8: {  	s3 =	sadd.s32 $0x20, s31;
	v10 =	vsel vm10, v10, v8;
	vm10 =	vge.s32 v11, v6;
	vm11 =	vlt.s32 v11, v7;
	v8 =	vld [tilespmem:s0+$0x30]  }
0xc9: {  	v11 =	vor.u32 s3, v1;
	s0 =	sadd.s32 $0x80, s0;
	vm10 =	vmand vm10, vm11;
	v12 =	vmax.f32 v10, v12  }
.LBB2_12:
0xca: {  	v10 =	vsel vm10, v12, v10;
	vm10 =	vge.s32 v11, v6;
	vm11 =	vlt.s32 v11, v7;
	s0 =	sadd.s32 $0x30, s31  }
0xcb: {  	vm10 =	vmand vm10, vm11;
	v9 =	vmax.f32 v10, v9;
	v11 =	vor.u32 s0, v1  }
0xcc: {  	v9 =	vsel vm10, v9, v10;
	vm10 =	vge.s32 v11, v6;
	vm11 =	vlt.s32 v11, v7  }
0xcd: {  	vm10 =	vmand vm10, vm11;
	v8 =	vmax.f32 v9, v8  }
0xce: {  	v8 =	vsel vm10, v8, v9  }
0xcf: {  	(xrf0) =	vmax.scan.msk.f32 $0xffff, v8;
	_ =	sdelay $0x5  }
0xd0: {  	v8, _, _ =	vpop (xrf0)  }
0xd1: {  	(v2sf) =	vpush v8, $0xF;
	_ =	sdelay $0xc  }
0xd2: {  	s31 =	sadd.s32 $0x1, s29  }
0xd3: {  	p2 =	slt.s32 s31, s28;
	v10 =	vld [tilespmem:s24+$0xFFFFFFC0]  }
.Ltmp9:
0xd4: {  	s26 =	spop (v2sf);
	(pc) =	sbr.rel @!p2 .LBB2_13-.Ltmp9, $4  }
0xd5: {  	s3 =	sadd.f32 $-1.000000000e+00, s26  }
0xd6: {  	v8 =	vbroadcast v8, $0xF  }
0xd7: {  	v9 =	vmov s3  }
0xd8: {  	s29 =	simm.s32 $0x0;
	p1 =	por $0x0, $0x0;
	vm10 =	vgt.f32 v10, v9;
	v10 =	vsub.f32 v10, v8  }
0xd9: {  	vm3 =	vmand vm3, vm10  }
0xda: {  	[tilespmem:s29+$0x8880] =	vst.msk vm3, v10;
	v10 =	vmpcnt.ones.xlane vm3  }
0xdb: {  	v11 =	vld [tilespmem:s24+$0xFFFFFFD0]  }
0xdc: {  	(v2sf) =	vpush v10, $0x0;
	_ =	sdelay $0x3  }
0xdd: {  	vm3 =	vgt.f32 v11, v9  }
0xde: {  	vm3 =	vmand vm9, vm3  }
0xdf: {  	v10 =	vmpcnt.ones.xlane vm3;
	_ =	sdelay $0x1  }
0xe0: {  	(v2sf) =	vpush v10, $0x0;
	_ =	sdelay $0x6  }
0xe1: {  	v10 =	vsub.f32 v11, v8;
	s0 =	spop (v2sf)  }
0xe2: {  	s0 =	sadd.s32 $0x0, s0  }
0xe3: {  	[tilespmem:s0+$0x8880] =	vst.msk vm3, v10  }
0xe4: {  	v10 =	vld [tilespmem:s24+$0xFFFFFFE0];
	_ =	sdelay $0x4  }
0xe5: {  	vm3 =	vgt.f32 v10, v9;
	v10 =	vsub.f32 v10, v8;
	s3 =	spop (v2sf)  }
0xe6: {  	s0 =	sadd.s32 s0, s3;
	vm3 =	vmand vm7, vm3  }
0xe7: {  	[tilespmem:s0+$0x8880] =	vst.msk vm3, v10;
	v10 =	vmpcnt.ones.xlane vm3  }
0xe8: {  	v11 =	vld [tilespmem:s24+$0xFFFFFFF0]  }
0xe9: {  	(v2sf) =	vpush v10, $0x0;
	_ =	sdelay $0x3  }
0xea: {  	vm3 =	vgt.f32 v11, v9  }
0xeb: {  	vm3 =	vmand vm8, vm3  }
0xec: {  	v10 =	vmpcnt.ones.xlane vm3;
	_ =	sdelay $0x1  }
0xed: {  	(v2sf) =	vpush v10, $0x0;
	_ =	sdelay $0x6  }
0xee: {  	v10 =	vsub.f32 v11, v8;
	s3 =	spop (v2sf)  }
0xef: {  	s0 =	sadd.s32 s0, s3  }
0xf0: {  	[tilespmem:s0+$0x8880] =	vst.msk vm3, v10  }
0xf1: {  	v10 =	vld [tilespmem:s24+$0x0];
	_ =	sdelay $0x4  }
0xf2: {  	vm3 =	vgt.f32 v10, v9;
	v10 =	vsub.f32 v10, v8;
	s3 =	spop (v2sf)  }
0xf3: {  	s0 =	sadd.s32 s0, s3;
	vm3 =	vmand vm4, vm3  }
0xf4: {  	[tilespmem:s0+$0x8880] =	vst.msk vm3, v10;
	v10 =	vmpcnt.ones.xlane vm3  }
0xf5: {  	v11 =	vld [tilespmem:s24+$0x10]  }
0xf6: {  	(v2sf) =	vpush v10, $0x0;
	_ =	sdelay $0x3  }
0xf7: {  	vm3 =	vmand vm5, vm6;
	vm4 =	vgt.f32 v11, v9  }
0xf8: {  	vm3 =	vmand vm3, vm4  }
0xf9: {  	v10 =	vmpcnt.ones.xlane vm3;
	_ =	sdelay $0x1  }
0xfa: {  	(v2sf) =	vpush v10, $0x0;
	_ =	sdelay $0x6  }
0xfb: {  	v10 =	vsub.f32 v11, v8;
	s3 =	spop (v2sf)  }
0xfc: {  	s0 =	sadd.s32 s0, s3  }
0xfd: {  	[tilespmem:s0+$0x8880] =	vst.msk vm3, v10  }
0xfe: {  	v10 =	vld [tilespmem:s24+$0x20];
	_ =	sdelay $0x2  }
0xff: {  	v11 =	vor.u32 s30, v1  }
0x100: {  	vm4 =	vlt.s32 v11, v7;
	vm3 =	vge.s32 v11, v6  }
0x101: {  	vm3 =	vmand vm3, vm4;
	vm4 =	vgt.f32 v10, v9;
	v10 =	vsub.f32 v10, v8;
	s3 =	spop (v2sf)  }
0x102: {  	s0 =	sadd.s32 s0, s3;
	vm3 =	vmand vm3, vm4  }
0x103: {  	[tilespmem:s0+$0x8880] =	vst.msk vm3, v10;
	v10 =	vmpcnt.ones.xlane vm3  }
0x104: {  	v11 =	vld [tilespmem:s24+$0x30]  }
0x105: {  	(v2sf) =	vpush v10, $0x0  }
0x106: {  	s3 =	sadd.s32 $0x30, s25  }
0x107: {  	v10 =	vor.u32 s3, v1  }
0x108: {  	vm3 =	vge.s32 v10, v6;
	vm4 =	vlt.s32 v10, v7  }
0x109: {  	vm3 =	vmand vm3, vm4;
	vm4 =	vgt.f32 v11, v9  }
0x10a: {  	vm3 =	vmand vm3, vm4  }
0x10b: {  	v10 =	vmpcnt.ones.xlane vm3;
	_ =	sdelay $0x1  }
0x10c: {  	(v2sf) =	vpush v10, $0x0;
	_ =	sdelay $0x6  }
0x10d: {  	v10 =	vsub.f32 v11, v8;
	s3 =	spop (v2sf)  }
0x10e: {  	s0 =	sadd.s32 s0, s3  }
0x10f: {  	s30 =	sadd.s32 $0x1, s31;
	s24 =	sadd.s32 $0x80, s24;
	[tilespmem:s0+$0x8880] =	vst.msk vm3, v10  }
0x110: {  	p2 =	slt.s32 s30, s28;
	v10 =	vld [tilespmem:s24+$0xFFFFFFC0]  }
.Ltmp10:
0x111: {  	s25 =	sadd.s32 $0x80, s25;
	(pc) =	sbr.rel @!p2 .LBB2_16-.Ltmp10, $4  }
0x112: {  	s3 =	sadd.s32 $0xFFFFFFC0, s25  }
0x113: {  	v11 =	vor.u32 s3, v1  }
0x114: {  	vm3 =	vge.s32 v11, v6;
	vm4 =	vlt.s32 v11, v7  }
0x115: {  	p1 =	por $0x1, $0x1;
	vm3 =	vmand vm3, vm4;
	vm10 =	vgt.f32 v10, v9;
	v10 =	vsub.f32 v10, v8;
	s31 =	spop (v2sf)  }
.LBB2_15:
0x116: {  	s30 =	sadd.s32 $0x1, s30;
	vm3 =	vmand vm3, vm10;
	s0 =	sadd.s32 s0, s31  }
0x117: {  	p2 =	slt.s32 s30, s28;
	[tilespmem:s0+$0x8880] =	vst.msk vm3, v10;
	v10 =	vmpcnt.ones.xlane vm3  }
0x118: {  	v11 =	vld [tilespmem:s24+$0xFFFFFFD0]  }
0x119: {  	(v2sf) =	vpush v10, $0x0  }
0x11a: {  	s3 =	sadd.s32 $0xFFFFFFD0, s25  }
0x11b: {  	v10 =	vor.u32 s3, v1  }
0x11c: {  	vm3 =	vge.s32 v10, v6;
	vm4 =	vlt.s32 v10, v7  }
0x11d: {  	vm3 =	vmand vm3, vm4;
	vm4 =	vgt.f32 v11, v9  }
0x11e: {  	vm3 =	vmand vm3, vm4  }
0x11f: {  	v10 =	vmpcnt.ones.xlane vm3;
	_ =	sdelay $0x1  }
0x120: {  	(v2sf) =	vpush v10, $0x0;
	_ =	sdelay $0x6  }
0x121: {  	v10 =	vsub.f32 v11, v8;
	s3 =	spop (v2sf)  }
0x122: {  	s0 =	sadd.s32 s0, s3  }
0x123: {  	[tilespmem:s0+$0x8880] =	vst.msk vm3, v10  }
0x124: {  	v10 =	vld [tilespmem:s24+$0xFFFFFFE0];
	_ =	sdelay $0x1  }
0x125: {  	s3 =	sadd.s32 $0xFFFFFFE0, s25  }
0x126: {  	v11 =	vor.u32 s3, v1  }
0x127: {  	vm3 =	vge.s32 v11, v6;
	vm4 =	vlt.s32 v11, v7  }
0x128: {  	vm3 =	vmand vm3, vm4;
	vm4 =	vgt.f32 v10, v9;
	v10 =	vsub.f32 v10, v8;
	s3 =	spop (v2sf)  }
0x129: {  	s0 =	sadd.s32 s0, s3;
	vm3 =	vmand vm3, vm4  }
0x12a: {  	[tilespmem:s0+$0x8880] =	vst.msk vm3, v10;
	v10 =	vmpcnt.ones.xlane vm3  }
0x12b: {  	v11 =	vld [tilespmem:s24+$0xFFFFFFF0]  }
0x12c: {  	(v2sf) =	vpush v10, $0x0  }
0x12d: {  	s3 =	sadd.s32 $0xFFFFFFF0, s25  }
0x12e: {  	v10 =	vor.u32 s3, v1  }
0x12f: {  	vm3 =	vge.s32 v10, v6;
	vm4 =	vlt.s32 v10, v7  }
0x130: {  	vm3 =	vmand vm3, vm4;
	vm4 =	vgt.f32 v11, v9  }
0x131: {  	vm3 =	vmand vm3, vm4  }
0x132: {  	v10 =	vmpcnt.ones.xlane vm3;
	_ =	sdelay $0x1  }
0x133: {  	(v2sf) =	vpush v10, $0x0;
	_ =	sdelay $0x6  }
0x134: {  	v10 =	vsub.f32 v11, v8;
	s3 =	spop (v2sf)  }
0x135: {  	s0 =	sadd.s32 s0, s3  }
0x136: {  	[tilespmem:s0+$0x8880] =	vst.msk vm3, v10  }
0x137: {  	v10 =	vld [tilespmem:s24+$0x0];
	_ =	sdelay $0x2  }
0x138: {  	v11 =	vor.u32 s25, v1  }
0x139: {  	vm4 =	vlt.s32 v11, v7;
	vm3 =	vge.s32 v11, v6  }
0x13a: {  	vm3 =	vmand vm3, vm4;
	vm4 =	vgt.f32 v10, v9;
	v10 =	vsub.f32 v10, v8;
	s3 =	spop (v2sf)  }
0x13b: {  	s0 =	sadd.s32 s0, s3;
	vm3 =	vmand vm3, vm4  }
0x13c: {  	[tilespmem:s0+$0x8880] =	vst.msk vm3, v10;
	v10 =	vmpcnt.ones.xlane vm3  }
0x13d: {  	v11 =	vld [tilespmem:s24+$0x10]  }
0x13e: {  	(v2sf) =	vpush v10, $0x0  }
0x13f: {  	s3 =	sadd.s32 $0x10, s25  }
0x140: {  	v10 =	vor.u32 s3, v1  }
0x141: {  	vm3 =	vge.s32 v10, v6;
	vm4 =	vlt.s32 v10, v7  }
0x142: {  	vm3 =	vmand vm3, vm4;
	vm4 =	vgt.f32 v11, v9  }
0x143: {  	vm3 =	vmand vm3, vm4  }
0x144: {  	v10 =	vmpcnt.ones.xlane vm3;
	_ =	sdelay $0x1  }
0x145: {  	(v2sf) =	vpush v10, $0x0;
	_ =	sdelay $0x6  }
0x146: {  	v10 =	vsub.f32 v11, v8;
	s3 =	spop (v2sf)  }
0x147: {  	s0 =	sadd.s32 s0, s3  }
0x148: {  	[tilespmem:s0+$0x8880] =	vst.msk vm3, v10  }
0x149: {  	v10 =	vld [tilespmem:s24+$0x20];
	_ =	sdelay $0x1  }
0x14a: {  	s3 =	sadd.s32 $0x20, s25  }
0x14b: {  	v11 =	vor.u32 s3, v1  }
0x14c: {  	vm3 =	vge.s32 v11, v6;
	vm4 =	vlt.s32 v11, v7  }
0x14d: {  	vm3 =	vmand vm3, vm4;
	vm4 =	vgt.f32 v10, v9;
	v10 =	vsub.f32 v10, v8;
	s3 =	spop (v2sf)  }
0x14e: {  	s0 =	sadd.s32 s0, s3;
	vm3 =	vmand vm3, vm4  }
0x14f: {  	[tilespmem:s0+$0x8880] =	vst.msk vm3, v10;
	v10 =	vmpcnt.ones.xlane vm3  }
0x150: {  	v11 =	vld [tilespmem:s24+$0x30]  }
0x151: {  	(v2sf) =	vpush v10, $0x0  }
0x152: {  	s3 =	sadd.s32 $0x30, s25  }
0x153: {  	v10 =	vor.u32 s3, v1  }
0x154: {  	vm3 =	vge.s32 v10, v6;
	vm4 =	vlt.s32 v10, v7  }
0x155: {  	vm3 =	vmand vm3, vm4;
	vm4 =	vgt.f32 v11, v9  }
0x156: {  	vm3 =	vmand vm3, vm4  }
0x157: {  	v10 =	vmpcnt.ones.xlane vm3;
	_ =	sdelay $0x1  }
0x158: {  	(v2sf) =	vpush v10, $0x0;
	_ =	sdelay $0x6  }
0x159: {  	v10 =	vsub.f32 v11, v8;
	s3 =	spop (v2sf)  }
0x15a: {  	s0 =	sadd.s32 s0, s3  }
0x15b: {  	s24 =	sadd.s32 $0x80, s24;
	[tilespmem:s0+$0x8880] =	vst.msk vm3, v10  }
0x15c: {  	v10 =	vld [tilespmem:s24+$0xFFFFFFC0]  }
.Ltmp11:
0x15d: {  	s25 =	sadd.s32 $0x80, s25;
	(pc) =	sbr.rel @p2 .LBB2_15-.Ltmp11, $4  }
0x15e: {  	s3 =	sadd.s32 $0xFFFFFFC0, s25  }
0x15f: {  	v11 =	vor.u32 s3, v1  }
0x160: {  	vm3 =	vge.s32 v11, v6;
	vm4 =	vlt.s32 v11, v7  }
0x161: {  	vm3 =	vmand vm3, vm4;
	vm10 =	vgt.f32 v10, v9;
	v10 =	vsub.f32 v10, v8;
	s31 =	spop (v2sf)  }
.LBB2_16:
0x162: {  	s0 =	sadd.s32 @p1 s0, s31  }
0x163: {  	vm3 =	vmand vm3, vm10;
	s29 =	smov.u32 @p1 s0  }
0x164: {  	v46 =	vmpcnt.ones.xlane vm3;
	[tilespmem:s29+$0x8880] =	vst.msk vm3, v10  }
0x165: {  	v11 =	vld [tilespmem:s24+$0xFFFFFFD0]  }
0x166: {  	(v2sf) =	vpush v46, $0x0  }
0x167: {  	s3 =	sadd.s32 $0xFFFFFFD0, s25  }
0x168: {  	v47 =	vor.u32 s3, v1  }
0x169: {  	vm3 =	vge.s32 v47, v6;
	vm4 =	vlt.s32 v47, v7  }
0x16a: {  	vm3 =	vmand vm3, vm4;
	vm11 =	vgt.f32 v11, v9  }
0x16b: {  	vm3 =	vmand vm3, vm11  }
0x16c: {  	v48 =	vmpcnt.ones.xlane vm3;
	_ =	sdelay $0x1  }
0x16d: {  	(v2sf) =	vpush v48, $0x0;
	_ =	sdelay $0x6  }
0x16e: {  	v49 =	vsub.f32 v11, v8;
	s28 =	spop (v2sf)  }
0x16f: {  	s0 =	sadd.s32 s29, s28  }
0x170: {  	[tilespmem:s0+$0x8880] =	vst.msk vm3, v49  }
0x171: {  	v10 =	vld [tilespmem:s24+$0xFFFFFFE0];
	_ =	sdelay $0x1  }
0x172: {  	s3 =	sadd.s32 $0xFFFFFFE0, s25  }
0x173: {  	v50 =	vor.u32 s3, v1  }
0x174: {  	vm12 =	vlt.s32 v50, v7;
	vm3 =	vge.s32 v50, v6  }
0x175: {  	vm3 =	vmand vm3, vm12;
	vm13 =	vgt.f32 v10, v9;
	v10 =	vsub.f32 v10, v8;
	s29 =	spop (v2sf)  }
0x176: {  	vm3 =	vmand vm3, vm13;
	s0 =	sadd.s32 s0, s29  }
0x177: {  	v51 =	vmpcnt.ones.xlane vm3;
	[tilespmem:s0+$0x8880] =	vst.msk vm3, v10  }
0x178: {  	v52 =	vld [tilespmem:s24+$0xFFFFFFF0]  }
0x179: {  	(v2sf) =	vpush v51, $0x0  }
0x17a: {  	s30 =	sadd.s32 $0xFFFFFFF0, s25  }
0x17b: {  	v53 =	vor.u32 s30, v1  }
0x17c: {  	vm14 =	vlt.s32 v53, v7;
	vm3 =	vge.s32 v53, v6  }
0x17d: {  	vm3 =	vmand vm3, vm14;
	vm15 =	vgt.f32 v52, v9  }
0x17e: {  	vm3 =	vmand vm3, vm15  }
0x17f: {  	v54 =	vmpcnt.ones.xlane vm3;
	_ =	sdelay $0x1  }
0x180: {  	(v2sf) =	vpush v54, $0x0;
	_ =	sdelay $0x6  }
0x181: {  	v55 =	vsub.f32 v52, v8;
	s31 =	spop (v2sf)  }
0x182: {  	s0 =	sadd.s32 s0, s31  }
0x183: {  	[tilespmem:s0+$0x8880] =	vst.msk vm3, v55  }
0x184: {  	v10 =	vld [tilespmem:s24+$0x0];
	_ =	sdelay $0x2  }
0x185: {  	v56 =	vor.u32 s25, v1  }
0x186: {  	vm8 =	vlt.s32 v56, v7;
	vm3 =	vge.s32 v56, v6  }
0x187: {  	vm3 =	vmand vm3, vm8;
	vm9 =	vgt.f32 v10, v9;
	v10 =	vsub.f32 v10, v8;
	s28 =	spop (v2sf)  }
0x188: {  	vm3 =	vmand vm3, vm9;
	s0 =	sadd.s32 s0, s28  }
0x189: {  	v57 =	vmpcnt.ones.xlane vm3;
	[tilespmem:s0+$0x8880] =	vst.msk vm3, v10  }
0x18a: {  	v58 =	vld [tilespmem:s24+$0x10]  }
0x18b: {  	(v2sf) =	vpush v57, $0x0  }
0x18c: {  	s29 =	sadd.s32 $0x10, s25  }
0x18d: {  	v59 =	vor.u32 s29, v1  }
0x18e: {  	vm10 =	vlt.s32 v59, v7;
	vm3 =	vge.s32 v59, v6  }
0x18f: {  	vm3 =	vmand vm3, vm10;
	vm11 =	vgt.f32 v58, v9  }
0x190: {  	vm3 =	vmand vm3, vm11  }
0x191: {  	v60 =	vmpcnt.ones.xlane vm3;
	_ =	sdelay $0x1  }
0x192: {  	(v2sf) =	vpush v60, $0x0;
	_ =	sdelay $0x6  }
0x193: {  	v61 =	vsub.f32 v58, v8;
	s30 =	spop (v2sf)  }
0x194: {  	s0 =	sadd.s32 s0, s30  }
0x195: {  	[tilespmem:s0+$0x8880] =	vst.msk vm3, v61  }
0x196: {  	v10 =	vld [tilespmem:s24+$0x20];
	_ =	sdelay $0x1  }
0x197: {  	s31 =	sadd.s32 $0x20, s25  }
0x198: {  	v62 =	vor.u32 s31, v1  }
0x199: {  	vm12 =	vlt.s32 v62, v7;
	vm3 =	vge.s32 v62, v6  }
0x19a: {  	vm3 =	vmand vm3, vm12;
	vm13 =	vgt.f32 v10, v9;
	v10 =	vsub.f32 v10, v8;
	s28 =	spop (v2sf)  }
0x19b: {  	vm3 =	vmand vm3, vm13;
	s0 =	sadd.s32 s0, s28  }
0x19c: {  	[tilespmem:s0+$0x8880] =	vst.msk vm3, v10  }
0x19d: {  	v10 =	vld [tilespmem:s24+$0x30];
	_ =	sdelay $0x1  }
0x19e: {  	s29 =	sadd.s32 $0x30, s25  }
0x19f: {  	v63 =	vor.u32 s29, v1  }
0x1a0: {  	vm14 =	vge.s32 v63, v6;
	vm5 =	vlt.s32 v63, v7  }
0x1a1: {  	vm4 =	vmand vm14, vm5;
	vm15 =	vgt.f32 v10, v9  }
0x1a2: {  	v6 =	vmpcnt.ones.xlane vm3;
	vm3 =	vmand vm4, vm15  }
0x1a3: {  	v7 =	vmpcnt.ones.xlane vm3  }
0x1a4: {  	(v2sf) =	vpush v6, $0x0  }
0x1a5: {  	(v2sf) =	vpush v7, $0x0;
	_ =	sdelay $0xd  }
0x1a6: {  	v6 =	vsub.f32 v10, v8;
	s30 =	spop (v2sf)  }
0x1a7: {  	s0 =	sadd.s32 s0, s30;
	s31 =	spop (v2sf)  }
0x1a8: {  	[tilespmem:s0+$0x8880] =	vst.msk vm3, v6;
	s24 =	sadd.s32 s0, s31  }
.LBB2_17:
0x1a9: {  	s0 =	sadd.s32 $0xF, s24  }
0x1aa: {  	s3 =	sand.u32 $0xF, s0  }
0x1ab: {  	s25 =	sshra.s32 s0, $0x1F;
	p1 =	slt.s32 s0, $0x1;
	p2 =	sne.s32 s3, $0x0  }
0x1ac: {  	s31 =	sshrl.u32 s25, $0x1C;
	p1 =	por !p1, !p2  }
0x1ad: {  	s3 =	simm.s32 $0x1;
	s0 =	sadd.s32 s31, s0;
	p1 =	por !p1, !p1  }
0x1ae: {  	s0 =	sshra.s32 s0, $0x4;
	s3 =	simm.s32 @!p1 $0x0  }
0x1af: {  	s0 =	ssub.s32 s0, s3  }
0x1b0: {  	p1 =	sgt.s32 s0, $0x1  }
.Ltmp12:
0x1b1: {  	_ = 	snop;
	(pc) =	sbr.rel @p1 .LBB2_18-.Ltmp12, $2  }
0x1b2: {  	_ =	sdelay $0x2  }
0x1b3: {  	[tilespmem:s24+$0x8880] =	vst v0  }
0x1b4: {  	v6 =	vld [tilespmem:$0x8880];
	_ =	sdelay $0x4  }
0x1b5: {  	(xrf1) =	vsort.dscd.msk.f32 $0xffff, v6, v6;
	_ =	sdelay $0xd  }
0x1b6: {  	v6, _, _ =	vpop (xrf1)  }
0x1b7: {  	(xrf2) =	vadd.scan.msk.f32 $0xffff, v6;
	_ =	sdelay $0x9  }
0x1b8: {  	v7, _, _ =	vpop (xrf2)  }
0x1b9: {  	v6 =	vmul.f32 v3, v6;
	v7 =	vadd.f32 $-1.000000000e+00, v7;
	_ =	sdelay $0x1  }
0x1ba: {  	vm3 =	vgt.f32 v6, v7  }
0x1bb: {  	v6 =	vmpcnt.ones.xlane vm3;
	_ =	sdelay $0x1  }
0x1bc: {  	(v2sf) =	vpush v6, $0x0;
	_ =	sdelay $0xe  }
0x1bd: {  	s0 =	spop (v2sf)  }
0x1be: {  	p1 =	sgt.s32 s0, $0x1  }
0x1bf: {  	s0 =	simm.s32 @!p1 $0x1  }
0x1c0: {  	s0 =	sadd.s32 $0xFFFFFFFF, s0  }
0x1c1: {  	v6 =	vmov s0  }
0x1c2: {  	vm3 =	veq.s32 v6, v1  }
0x1c3: {  	v6 =	vnsel vm3, $0xF149F2CA, v7  }
0x1c4: {  	(xrf0) =	vmax.scan.msk.f32 $0xffff, v6;
	v6 =	vnsel vm3, $0xF149F2CA, v4  }
0x1c5: {  	(xrf0) =	vmax.scan.msk.f32 $0xffff, v6;
	_ =	sdelay $0x4  }
0x1c6: {  	v6, _, _ =	vpop (xrf0)  }
0x1c7: {  	(v2sf) =	vpush v6, $0xF;
	v6, _, _ =	vpop (xrf0)  }
0x1c8: {  	(v2sf) =	vpush v6, $0xF;
	_ =	sdelay $0xb  }
.Ltmp13:
0x1c9: {  	_ = 	snop;
	(pc) =	sbr.rel .LBB2_23-.Ltmp13, $4  }
0x1ca: {  	_ = 	snop  }
0x1cb: {  	s31 =	spop (v2sf)  }
0x1cc: {  	s3 =	spop (v2sf)  }
0x1cd: {  	s0 =	smul.f32 s3, s31  }
.LBB2_18:
0x1ce: {  	s24 =	simm.f32 $-1.000000000e+00;
	s25 =	simm.f32 $0.0e+00  }
.LBB2_19:
0x1cf: {  	s3 =	simm.s32 $0x8880  }
0x1d0: {  	s28 =	sadd.f32 s25, s24;
	p1 =	sne.s32 s0, $0x1;
	v8 =	vld [tilespmem:s3+$0x0]  }
.Ltmp14:
0x1d1: {  	_ = 	snop;
	(pc) =	sbr.rel @!p1 .LBB2_21-.Ltmp14, $3  }
0x1d2: {  	s28 =	smul.f32 $5.000000000e-01, s28;
	_ =	sdelay $0x1  }
0x1d3: {  	v7 =	vmov s28  }
0x1d4: {  	v6 =	vimm.f32 $0.0e+00;
	s29 =	sadd.s32 $0xFFFFFFFF, s0;
	s30 =	simm.s32 $0x8890;
	v8 =	vsub.f32 v8, v7  }
.LBB2_20:
0x1d5: {  	v9 =	vld [tilespmem:s30+$0x0];
	p1 =	sne.s32 s29, $0x1;
	s29 =	sadd.s32 $0xFFFFFFFF, s29  }
.Ltmp15:
0x1d6: {  	v8 =	vmax.f32 v8, $0.0e+00;
	(pc) =	sbr.rel @p1 .LBB2_20-.Ltmp15, $2  }
0x1d7: {  	v6 =	vadd.f32 v8, v6;
	_ =	sdelay $0x2  }
0x1d8: {  	s30 =	sadd.s32 $0x10, s30;
	v8 =	vsub.f32 v9, v7  }
.LBB2_21:
0x1d9: {  	_ = 	snop  }
0x1da: {  	v7 =	vmax.f32 v8, $0.0e+00  }
0x1db: {  	v6 =	vadd.f32 v7, v6;
	_ =	sdelay $0x1  }
0x1dc: {  	(xrf2) =	vadd.scan.msk.f32 $0xffff, v6;
	_ =	sdelay $0x9  }
0x1dd: {  	v6, _, _ =	vpop (xrf2)  }
0x1de: {  	(v2sf) =	vpush v6, $0xF;
	_ =	sdelay $0xe  }
0x1df: {  	s3 =	spop (v2sf)  }
0x1e0: {  	p1 =	sge.f32 s3, $1.000000000e+00  }
0x1e1: {  	s23 =	sadd.s32 $0x1, s23  }
0x1e2: {  	s24 =	smov.u32 @p1 s28;
	s28 =	smov.u32 @p1 s25;
	p1 =	sne.s32 s23, $0x18  }
.Ltmp16:
0x1e3: {  	_ = 	snop;
	(pc) =	sbr.rel @p1 .LBB2_19-.Ltmp16, $2  }
0x1e4: {  	_ =	sdelay $0x2  }
0x1e5: {  	s25 =	smov.u32 s28  }
0x1e6: {  	s0 =	sadd.f32 s28, s24;
	_ =	sdelay $0x1  }
0x1e7: {  	s0 =	smul.f32 $5.000000000e-01, s0  }
.LBB2_23:
0x1e8: {  	_ = 	snop  }
0x1e9: {  	s0 =	sadd.f32 s0, s26;
	_ =	sdelay $0x1  }
0x1ea: {  	v6 =	vmov s0  }
0x1eb: {  	v6 =	vnsel vm0, $0x0, v6  }
0x1ec: {  	s0 =	simm.s32 $0x0;
	[tilespmem:$0x11980] =	vst v6  }
0x1ed: {  	[hbm4b:s9+s0] =	stream.linear.scatter [tilespmem:s19], [sflag:$0x3], $0x80, $0x38;
	[tilespmem:$0x12200] =	vst v63  }
0x1ee: {  	_ =	swait.ge [sflag:s14], $0x80  }
0x1ef: {  	[sflag:s14] =	ssyncset.done $0x0  }
0x1f0: {  	[sflag:s14] =	ssyncadd.s32 $0xFFFFFF80  }
0x1f1: {  	[bflag:$0x0] =	sbarrier.arrive $0xFFFF  }
0x1f2: {  	[tilespmem:s20], [sflag:$0x3] =	stream.linear.gather [hbm4b:s5+s0], $0x800, $0x38;
	[tilespmem:$0x12200] =	vst v63  }
0x1f3: {  	_ =	swait.ge [sflag:s14], $0x800  }
0x1f4: {  	[sflag:s14] =	ssyncset.done $0x0  }
0x1f5: {  	[sflag:s14] =	ssyncadd.s32 $0xFFFFF800  }
0x1f6: {  	_ =	swait.ge [sflag:s17], $0x400  }
0x1f7: {  	[sflag:s17] =	ssyncset.done $0x0  }
0x1f8: {  	[sflag:s17] =	ssyncadd.s32 $0xFFFFFC00  }
.LBB2_24:
0x1f9: {  	s3 =	sshra.s32 s0, $0x2  }
0x1fa: {  	v6 =	vld.idx.msk [tilespmem:v5+s3+$0xFFFFFFC0 ss:$0x1], $0xffff;
	_ =	sdelay $0x4  }
0x1fb: {  	v6 =	vshll.u32 v6, $0x7;
	_ =	sdelay $0x3  }
0x1fc: {  	v7 =	vld [tilespmem:s3+$0x10900]  }
0x1fd: {  	v6 =	vld.idx.msk [tilespmem:v6+s20+$0x0], $0xffff;
	_ =	sdelay $0x4  }
0x1fe: {  	v6 =	vsub.f32 v7, v6;
	_ =	sdelay $0x1  }
0x1ff: {  	v6 =	vmax.f32 v6, $0.0e+00  }
0x200: {  	[tilespmem:s3+$0x10D00] =	vst v6  }
0x201: {  	v6 =	vld.idx.msk [tilespmem:v5+s3+$0xFFFFFFD0 ss:$0x1], $0xffff;
	_ =	sdelay $0x4  }
0x202: {  	v6 =	vshll.u32 v6, $0x7;
	_ =	sdelay $0x3  }
0x203: {  	v7 =	vld [tilespmem:s3+$0x10910]  }
0x204: {  	v6 =	vld.idx.msk [tilespmem:v6+s20+$0x0], $0xffff;
	_ =	sdelay $0x4  }
0x205: {  	v6 =	vsub.f32 v7, v6;
	_ =	sdelay $0x1  }
0x206: {  	v6 =	vmax.f32 v6, $0.0e+00  }
0x207: {  	[tilespmem:s3+$0x10D10] =	vst v6  }
0x208: {  	v6 =	vld.idx.msk [tilespmem:v5+s3+$0xFFFFFFE0 ss:$0x1], $0xffff;
	_ =	sdelay $0x4  }
0x209: {  	v6 =	vshll.u32 v6, $0x7;
	_ =	sdelay $0x3  }
0x20a: {  	v7 =	vld [tilespmem:s3+$0x10920]  }
0x20b: {  	v6 =	vld.idx.msk [tilespmem:v6+s20+$0x0], $0xffff;
	_ =	sdelay $0x4  }
0x20c: {  	v6 =	vsub.f32 v7, v6;
	_ =	sdelay $0x1  }
0x20d: {  	v6 =	vmax.f32 v6, $0.0e+00  }
0x20e: {  	[tilespmem:s3+$0x10D20] =	vst v6  }
0x20f: {  	v6 =	vld.idx.msk [tilespmem:v5+s3+$0xFFFFFFF0 ss:$0x1], $0xffff;
	_ =	sdelay $0x4  }
0x210: {  	v6 =	vshll.u32 v6, $0x7;
	_ =	sdelay $0x3  }
0x211: {  	v7 =	vld [tilespmem:s3+$0x10930]  }
0x212: {  	v6 =	vld.idx.msk [tilespmem:v6+s20+$0x0], $0xffff;
	_ =	sdelay $0x4  }
0x213: {  	v6 =	vsub.f32 v7, v6;
	_ =	sdelay $0x1  }
0x214: {  	v6 =	vmax.f32 v6, $0.0e+00  }
0x215: {  	[tilespmem:s3+$0x10D30] =	vst v6  }
0x216: {  	v6 =	vld.idx.msk [tilespmem:v5+s3+$0x0 ss:$0x1], $0xffff;
	_ =	sdelay $0x4  }
0x217: {  	v6 =	vshll.u32 v6, $0x7;
	_ =	sdelay $0x3  }
0x218: {  	v7 =	vld [tilespmem:s3+$0x10940]  }
0x219: {  	v6 =	vld.idx.msk [tilespmem:v6+s20+$0x0], $0xffff;
	_ =	sdelay $0x4  }
0x21a: {  	v6 =	vsub.f32 v7, v6;
	_ =	sdelay $0x1  }
0x21b: {  	v6 =	vmax.f32 v6, $0.0e+00  }
0x21c: {  	[tilespmem:s3+$0x10D40] =	vst v6  }
0x21d: {  	v6 =	vld.idx.msk [tilespmem:v5+s3+$0x10 ss:$0x1], $0xffff;
	_ =	sdelay $0x4  }
0x21e: {  	v6 =	vshll.u32 v6, $0x7;
	_ =	sdelay $0x3  }
0x21f: {  	v7 =	vld [tilespmem:s3+$0x10950]  }
0x220: {  	v6 =	vld.idx.msk [tilespmem:v6+s20+$0x0], $0xffff;
	_ =	sdelay $0x4  }
0x221: {  	v6 =	vsub.f32 v7, v6;
	_ =	sdelay $0x1  }
0x222: {  	v6 =	vmax.f32 v6, $0.0e+00  }
0x223: {  	[tilespmem:s3+$0x10D50] =	vst v6  }
0x224: {  	v6 =	vld.idx.msk [tilespmem:v5+s3+$0x20 ss:$0x1], $0xffff;
	_ =	sdelay $0x4  }
0x225: {  	v6 =	vshll.u32 v6, $0x7;
	_ =	sdelay $0x3  }
0x226: {  	v7 =	vld [tilespmem:s3+$0x10960]  }
0x227: {  	v6 =	vld.idx.msk [tilespmem:v6+s20+$0x0], $0xffff;
	_ =	sdelay $0x4  }
0x228: {  	v6 =	vsub.f32 v7, v6;
	_ =	sdelay $0x1  }
0x229: {  	v6 =	vmax.f32 v6, $0.0e+00  }
0x22a: {  	[tilespmem:s3+$0x10D60] =	vst v6  }
0x22b: {  	v6 =	vld.idx.msk [tilespmem:v5+s3+$0x30 ss:$0x1], $0xffff;
	_ =	sdelay $0x4  }
0x22c: {  	v6 =	vshll.u32 v6, $0x7;
	_ =	sdelay $0x3  }
0x22d: {  	v7 =	vld [tilespmem:s3+$0x10970]  }
0x22e: {  	v6 =	vld.idx.msk [tilespmem:v6+s20+$0x0], $0xffff;
	_ =	sdelay $0x2  }
0x22f: {  	p1 =	sne.s32 s0, $0xE00  }
.Ltmp17:
0x230: {  	_ = 	snop;
	(pc) =	sbr.rel @p1 .LBB2_24-.Ltmp17, $3  }
0x231: {  	v6 =	vsub.f32 v7, v6;
	_ =	sdelay $0x1  }
0x232: {  	v6 =	vmax.f32 v6, $0.0e+00  }
0x233: {  	s0 =	sadd.s32 $0x200, s0;
	[tilespmem:s3+$0x10D70] =	vst v6  }
0x234: {  	[hbm4b:s10+s2] =	stream.linear.scatter [tilespmem:s21], [sflag:$0x3], $0x400, $0x38;
	[tilespmem:$0x12200] =	vst v63  }
0x235: {  	s22 =	sadd.s32 $0x1, s22  }
0x236: {  	p1 =	sne.s32 s22, s11  }
.Ltmp18:
0x237: {  	_ = 	snop;
	(pc) =	sbr.rel @p1 .LBB2_1-.Ltmp18, $4  }
.Ltmp19:
0x238: {  	_ = 	snop;
	(pc) =	sbr.rel @!p1 .LBB2_26-.Ltmp19, $4  }
0x239: {  	_ =	swait.ge [sflag:s14], $0x400  }
0x23a: {  	[sflag:s14] =	ssyncset.done $0x0  }
0x23b: {  	[sflag:s14] =	ssyncadd.s32 $0xFFFFFC00  }
0x23c: {  	_ = 	snop  }
.LBB2_13:
.Ltmp20:
0x23d: {  	(pc) =	sbr.rel .LBB2_16-.Ltmp20, $2  }
0x23e: {  	_ =	sdelay $0x2  }
0x23f: {  	_ = 	snop  }
.LBB2_26:
0x240: {  	_ =	sfence.sel $0x180000  }
0x241: {  	[bflag:$0x0] =	sbarrier.arrive $0xFFFF  }
0x242: {  	_ =	strace $0x90000047  }
0x243: {  	s0 =	stileid.u32;
	[bflag:$0x2] =	sbarrier.arrive $0xFFFF  }
0x244: {  	p0 =	sne.s32 s0, $0x0;
	s0 =	rddreg [dreg:$0x4]  }
0x245: {  	s0 =	sadd.s32 @!p0 $0x100000, s0  }
0x246: {  	[sflag:s0] =	ssyncadd.tile.s32 @!p0 $0x1;
	_ =	shalt  }
.Lfunc_end2:
_tile_overlayer_lowered:
.L_overlay_start_2:
0x247: {  	(tag) =	ssettag $0x2  }
0x248: {  	s0 =	rddreg [dreg:$0x0];
	s2 =	stileid.u32  }
0x249: {  	s1 =	rddreg [dreg:$0x1];
	p0 =	sne.s32 s2, $0x0  }
0x24a: {  	s3 =	rddreg [dreg:$0x2];
	[bflag:$0x3] =	sbarrier.arrive $0xFFFF;
	s2 =	simm.s32 @!p0 $0x1C03  }
0x24b: {  	[timem:s3], [sflag:s2] =	dma.local @!p0 [hbm:s0], s1  }
0x24c: {  	s0 =	simm.s32 @!p0 $0x3  }
0x24d: {  	_ =	swait.ge @!p0 [sflag:s0], s1  }
0x24e: {  	s1 =	ssub.s32 @!p0 $0x0, s1;
	[sflag:s0] =	ssyncset.done @!p0 $0x0  }
0x24f: {  	[sflag:s0] =	ssyncadd.s32 @!p0 s1  }
0x250: {  	[bflag:$0x3] =	sbarrier.arrive $0xFFFF  }
0x251: {  	_ =	shalt  }

</sc_bundles>
